<compile_context>
chip_gen: v7x
topology: tpu7x:2x2x1
jax: 0.10.2.dev20260603
libtpu: 0.0.44.dev20260713+nightly
codegen_flags: <defaults>
</compile_context>

<pallas_src>
import functools

import jax
import jax.numpy as jnp
from jax import lax
from jax.experimental import pallas as pl
from jax.experimental.pallas import tpu as pltpu
from jax.experimental.pallas import tpu_sc as plsc

N = 10000
E = 320000
D = 128
EMB = 256
HID = 512
VOCAB = 8192
B = 1000

NW = 32
K = 128
CH = 80
EWP = CH * K
XW = 144
NPAD = N + 112
G = 2048
GW = G // NW
DUMMY = G
ACC_ROWS = 2176
RPT = ACC_ROWS // 16
NBV = 8
BV = VOCAB // NBV


def _sc_mesh():
    return plsc.VectorSubcoreMesh(core_axis_name="c", subcore_axis_name="s")


_SC_PARAMS = pltpu.CompilerParams(use_tc_tiling_on_sc=False,
                                  needs_layout_passes=False)


@functools.partial(
    pl.kernel,
    mesh=_sc_mesh(),
    compiler_params=_SC_PARAMS,
    out_type=(
        jax.ShapeDtypeStruct((ACC_ROWS, XW), jnp.float32),
        jax.ShapeDtypeStruct((ACC_ROWS, XW), jnp.float32),
    ),
    scratch_types=[
        pltpu.VMEM((EWP,), jnp.int32),
        pltpu.VMEM((EWP,), jnp.int32),
        pltpu.VMEM((EWP + 384,), jnp.int32),
        pltpu.VMEM((EWP + 384,), jnp.int32),
        pltpu.VMEM((NPAD,), jnp.int32),
        pltpu.VMEM((K, XW), jnp.float32),
        pltpu.VMEM((K, XW), jnp.float32),
        pltpu.VMEM((K, XW), jnp.float32),
        pltpu.VMEM_SHARED((ACC_ROWS, XW), jnp.float32),
        pltpu.SemaphoreType.DMA,
        pltpu.SemaphoreType.DMA,
        pltpu.SemaphoreType.DMA,
    ],
)
def _edge_agg(xext_h, srcp_h, dstp_h, slot_h, zero_h, out_a, out_b,
              src_v, dst_v, csrc_v, cslot_v, slot_v, r0, r1, r2, acc_sh,
              sem0, sem1, sem2):
    cid = lax.axis_index("c")
    sid = lax.axis_index("s")
    wid = sid * 2 + cid
    pltpu.sync_copy(zero_h.at[pl.ds(sid * RPT, RPT)],
                    acc_sh.at[pl.ds(sid * RPT, RPT)])
    plsc.subcore_barrier()
    pltpu.sync_copy(srcp_h.at[wid], src_v)
    pltpu.sync_copy(dstp_h.at[wid], dst_v)
    pltpu.sync_copy(slot_h, slot_v)

    def compact(i, cnt):
        s16 = src_v[pl.ds(i * 16, 16)]
        d16 = dst_v[pl.ds(i * 16, 16)]
        sl16 = plsc.load_gather(slot_v, [d16])
        valid = sl16 < DUMMY
        plsc.store_compressed(csrc_v.at[pl.ds(cnt, 16)], s16, mask=valid)
        plsc.store_compressed(cslot_v.at[pl.ds(cnt, 16)], sl16, mask=valid)
        return cnt + jnp.max(plsc.all_reduce_population_count(valid))

    cnt = lax.fori_loop(0, EWP // 16, compact, jnp.int32(0))

    zeros16 = jnp.zeros((16,), jnp.int32)
    dummy16 = jnp.full((16,), DUMMY, jnp.int32)
    for k in range(3 * K // 16):
        csrc_v[pl.ds(cnt + k * 16, 16)] = zeros16
        cslot_v[pl.ds(cnt + k * 16, 16)] = dummy16

    bufs = (r0, r1, r2)
    sems = (sem0, sem1, sem2)
    NB = len(bufs)
    ngroups = (cnt + NB * K - 1) // (NB * K)

    def group(g, carry):
        base = g * NB * K
        copies = [
            pltpu.async_copy(
                xext_h.at[csrc_v.at[pl.ds(base + i * K, K)]], bufs[i], sems[i])
            for i in range(NB)
        ]
        for i in range(NB):
            copies[i].wait()
            pltpu.sync_copy(bufs[i],
                            acc_sh.at[cslot_v.at[pl.ds(base + i * K, K)]],
                            add=True)
        return carry

    lax.fori_loop(0, ngroups, group, 0)
    plsc.subcore_barrier()

    @pl.when(cid == 0)
    def _():
        pltpu.sync_copy(acc_sh.at[pl.ds(sid * RPT, RPT)],
                        out_a.at[pl.ds(sid * RPT, RPT)])

    @pl.when(cid == 1)
    def _():
        pltpu.sync_copy(acc_sh.at[pl.ds(sid * RPT, RPT)],
                        out_b.at[pl.ds(sid * RPT, RPT)])


@functools.partial(
    pl.kernel,
    mesh=_sc_mesh(),
    compiler_params=_SC_PARAMS,
    out_type=(
        jax.ShapeDtypeStruct((G, XW), jnp.float32),
        jax.ShapeDtypeStruct((G, XW), jnp.float32),
        jax.ShapeDtypeStruct((G, XW), jnp.float32),
    ),
    scratch_types=[
        pltpu.VMEM((GW,), jnp.int32),
        pltpu.VMEM((GW,), jnp.int32),
        pltpu.VMEM((GW, XW), jnp.float32),
        pltpu.VMEM((GW, XW), jnp.float32),
        pltpu.VMEM((GW, XW), jnp.float32),
        pltpu.SemaphoreType.DMA,
        pltpu.SemaphoreType.DMA,
        pltpu.SemaphoreType.DMA,
    ],
)
def _row_gather(xext_h, acc_a, acc_b, idx_h, canon_h, xg_h, ga_h, gb_h,
                idx_v, can_v, bx, ba, bb, sem0, sem1, sem2):
    cid = lax.axis_index("c")
    sid = lax.axis_index("s")
    wid = sid * 2 + cid
    pltpu.sync_copy(idx_h.at[wid], idx_v)
    pltpu.sync_copy(canon_h.at[wid], can_v)
    c1 = pltpu.async_copy(xext_h.at[idx_v], bx, sem0)
    c2 = pltpu.async_copy(acc_a.at[can_v], ba, sem1)
    c3 = pltpu.async_copy(acc_b.at[can_v], bb, sem2)
    c1.wait()
    pltpu.sync_copy(bx, xg_h.at[pl.ds(wid * GW, GW)])
    c2.wait()
    pltpu.sync_copy(ba, ga_h.at[pl.ds(wid * GW, GW)])
    c3.wait()
    pltpu.sync_copy(bb, gb_h.at[pl.ds(wid * GW, GW)])


def _vq_body(xg_ref, ga_ref, gb_ref, ws_ref, wn_ref, fw_ref, fb_ref, cb_ref,
             onehot_ref, loss_ref,
             out_s, m_s, z_s, idx_s, div_s):
    p = pl.program_id(0)
    v = pl.program_id(1)

    @pl.when(jnp.logical_and(p == 0, v == 0))
    def _():
        agg = ga_ref[...] + gb_ref[...]
        deg = jnp.maximum(agg[:, D:D + 1], 1.0)
        aggn = agg[:, :D] / deg
        xg = xg_ref[:, :D]
        h = jnp.maximum(
            jnp.dot(xg, ws_ref[...], preferred_element_type=jnp.float32)
            + jnp.dot(aggn, wn_ref[...], preferred_element_type=jnp.float32),
            0.0)
        out = (jnp.dot(h[0:B], fw_ref[0:EMB], preferred_element_type=jnp.float32)
               + jnp.dot(h[1024:1024 + B], fw_ref[EMB:2 * EMB],
                         preferred_element_type=jnp.float32)
               + fb_ref[...])
        out_s[...] = out
        m_s[...] = jnp.full((B, 1), jnp.inf, jnp.float32)
        z_s[...] = jnp.zeros((B, 1), jnp.float32)
        idx_s[...] = jnp.full((B, 1), jnp.int32(2 ** 30))

    out = out_s[...]
    cb = cb_ref[...]
    db = (jnp.sum(out * out, axis=1, keepdims=True)
          - 2.0 * lax.dot_general(out, cb, (((1,), (1,)), ((), ())),
                                  preferred_element_type=jnp.float32)
          + jnp.sum(cb * cb, axis=1)[None, :])
    col = lax.broadcasted_iota(jnp.int32, (B, BV), 1) + v * BV

    @pl.when(p == 0)
    def _():
        bm = jnp.min(db, axis=1, keepdims=True)
        bidx = jnp.min(jnp.where(db == bm, col, jnp.int32(2 ** 30)),
                       axis=1, keepdims=True)
        m_old = m_s[...]
        better = bm < m_old
        m_new = jnp.minimum(m_old, bm)
        idx_s[...] = jnp.where(better, bidx, idx_s[...])
        z_s[...] = (z_s[...] * jnp.exp(m_new - m_old)
                    + jnp.sum(jnp.exp(m_new - db), axis=1, keepdims=True))
        m_s[...] = m_new

    @pl.when(p == 1)
    def _():
        @pl.when(v == 0)
        def _():
            div_s[0, 0] = 0.0
        probs = jnp.exp(m_s[...] - db) / z_s[...]
        avg = jnp.sum(probs, axis=0, keepdims=True) * (1.0 / B)
        div_s[0, 0] += jnp.sum(avg * jnp.log(avg + 1e-9))
        onehot_ref[...] = jnp.where(col == idx_s[...], 1.0, 0.0)

        @pl.when(v == NBV - 1)
        def _():
            commit = 0.2 * jnp.sum(m_s[...]) * (1.0 / (B * HID))
            loss_ref[...] = jnp.full((1, 1), commit + 0.1 * div_s[0, 0],
                                     jnp.float32)


def kernel(x, edge_index, ptr, target_node_idx, ego_node_idx,
           W_self, W_nbr, fc_w, fc_b, codebook):
    f32 = jnp.float32
    i32 = jnp.int32
    xext = jnp.concatenate(
        [x, jnp.ones((N, 1), f32), jnp.zeros((N, XW - D - 1), f32)], axis=1)
    src = edge_index[0].reshape(NW, E // NW)
    dst = edge_index[1].reshape(NW, E // NW)
    padw = EWP - E // NW
    srcp = jnp.concatenate([src, jnp.zeros((NW, padw), i32)], axis=1)
    dstp = jnp.concatenate([dst, jnp.full((NW, padw), N, i32)], axis=1)

    adj_t = target_node_idx + ptr[:-1]
    adj_e = ego_node_idx + ptr[:-1]
    padb = jnp.zeros((1024 - B,), i32)
    idx_g = jnp.concatenate([adj_t, padb, adj_e, padb])
    canon = jnp.argmax(idx_g[None, :] == idx_g[:, None], axis=1).astype(i32)
    dummy_spread = DUMMY + (jnp.arange(NPAD, dtype=i32) % (ACC_ROWS - G))
    slot_tab = dummy_spread.at[idx_g].set(canon)
    zero_init = jnp.zeros((ACC_ROWS, XW), f32)
    idx_g2 = idx_g.reshape(NW, GW)
    canon2 = canon.reshape(NW, GW)

    acc_a, acc_b = _edge_agg(xext, srcp, dstp, slot_tab, zero_init)
    xg, ga, gb = _row_gather(xext, acc_a, acc_b, idx_g2, canon2)

    onehot, loss = pl.pallas_call(
        _vq_body,
        grid=(2, NBV),
        in_specs=[
            pl.BlockSpec((G, XW), lambda p, v: (0, 0)),
            pl.BlockSpec((G, XW), lambda p, v: (0, 0)),
            pl.BlockSpec((G, XW), lambda p, v: (0, 0)),
            pl.BlockSpec((D, EMB), lambda p, v: (0, 0)),
            pl.BlockSpec((D, EMB), lambda p, v: (0, 0)),
            pl.BlockSpec((2 * EMB, HID), lambda p, v: (0, 0)),
            pl.BlockSpec((1, HID), lambda p, v: (0, 0)),
            pl.BlockSpec((BV, HID), lambda p, v: (v, 0)),
        ],
        out_specs=[
            pl.BlockSpec((B, BV), lambda p, v: (0, v)),
            pl.BlockSpec((1, 1), lambda p, v: (0, 0)),
        ],
        out_shape=[
            jax.ShapeDtypeStruct((B, VOCAB), f32),
            jax.ShapeDtypeStruct((1, 1), f32),
        ],
        scratch_shapes=[
            pltpu.VMEM((B, HID), f32),
            pltpu.VMEM((B, 1), f32),
            pltpu.VMEM((B, 1), f32),
            pltpu.VMEM((B, 1), jnp.int32),
            pltpu.SMEM((1, 1), f32),
        ],
    )(xg, ga, gb, W_self, W_nbr, fc_w, fc_b.reshape(1, HID), codebook)
    return onehot, loss[0, 0]

# --- scband reference (transcript-rebuilt; emitter-appended) ---
"""Pipeline reference for scband-sender-36472862277935 (READ-ONLY COPY).

The authoritative reference and input builder live on the scoring server;
editing this copy changes nothing except your own understanding.
"""

import jax, jax.numpy as jnp
import numpy as np

N = 10000        # total nodes across all packed subgraphs
E = 320000       # edges (avg degree 32)
D = 128          # num_node_features
EMB = 256        # embedding_size (GNN layer output)
HID = 512        # hidden_size (VQ dim)
VOCAB = 8192     # codebook_size / vocab_size
B = 1000         # number of packed subgraphs (batch)
GS = 10          # nodes per subgraph


def setup_inputs(seed: int = 0) -> dict:
    key = jax.random.key(seed)
    ks = jax.random.split(key, 10)
    x = jax.random.normal(ks[0], (N, D), dtype=jnp.float32)
    edge_index = jax.random.randint(ks[1], (2, E), 0, N, dtype=jnp.int32)
    ptr = (jnp.arange(B + 1, dtype=jnp.int32) * GS)
    target_node_idx = jax.random.randint(ks[2], (B,), 0, GS, dtype=jnp.int32)
    ego_node_idx = jax.random.randint(ks[3], (B,), 0, GS, dtype=jnp.int32)
    # learned params: GNN layer (approximated as self-transform + mean neighbor aggregation),
    # fc projection, and the VQ codebook
    W_self = jax.random.normal(ks[4], (D, EMB), dtype=jnp.float32) * (1.0 / np.sqrt(D))
    W_nbr = jax.random.normal(ks[5], (D, EMB), dtype=jnp.float32) * (1.0 / np.sqrt(D))
    fc_w = jax.random.normal(ks[6], (2 * EMB, HID), dtype=jnp.float32) * (1.0 / np.sqrt(2 * EMB))
    fc_b = jnp.zeros((HID,), dtype=jnp.float32)
    codebook = jax.random.normal(ks[7], (VOCAB, HID), dtype=jnp.float32)
    return {
        'x': x, 'edge_index': edge_index, 'ptr': ptr,
        'target_node_idx': target_node_idx, 'ego_node_idx': ego_node_idx,
        'W_self': W_self, 'W_nbr': W_nbr, 'fc_w': fc_w, 'fc_b': fc_b,
        'codebook': codebook,
    }


def reference(x, edge_index, ptr, target_node_idx, ego_node_idx,
              W_self, W_nbr, fc_w, fc_b, codebook):
    src = edge_index[0]
    dst = edge_index[1]
    # GNN layer (GAT/Transform stand-in): transformed self features + mean-aggregated
    # transformed neighbor messages, ReLU nonlinearity
    msg = jnp.take(x, src, axis=0) @ W_nbr                      # gather [E, EMB]
    agg = jax.ops.segment_sum(msg, dst, num_segments=N)         # scatter-add
    deg = jax.ops.segment_sum(jnp.ones((E,), jnp.float32), dst, num_segments=N)
    agg = agg / jnp.maximum(deg, 1.0)[:, None]
    h = jax.nn.relu(x @ W_self + agg)                            # [N, EMB]

    adjusted_ego_idx = ego_node_idx + ptr[:-1]
    adjusted_target_idx = target_node_idx + ptr[:-1]
    target_embedding = jnp.concatenate(
        [jnp.take(h, adjusted_target_idx, axis=0),
         jnp.take(h, adjusted_ego_idx, axis=0)], axis=1)         # [B, 2*EMB]
    output = target_embedding @ fc_w + fc_b                      # [B, HID]

    # VectorQuantize: nearest-codebook lookup
    d = (jnp.sum(output ** 2, axis=1, keepdims=True)
         - 2.0 * output @ codebook.T
         + jnp.sum(codebook ** 2, axis=1)[None, :])              # [B, VOCAB]
    indices = jnp.argmin(d, axis=1)                              # [B]
    quantized = jnp.take(codebook, indices, axis=0)              # [B, HID]
    commit_loss = 0.2 * jnp.mean((output - jax.lax.stop_gradient(quantized)) ** 2)
    probs = jax.nn.softmax(-d, axis=-1)
    avg_probs = jnp.mean(probs, axis=0)
    diversity_loss = 0.1 * jnp.sum(avg_probs * jnp.log(avg_probs + 1e-9))
    loss = commit_loss + diversity_loss

    onehot = jax.nn.one_hot(indices, VOCAB, dtype=jnp.float32)   # [B, VOCAB]
    return onehot, loss

if __name__ == "__main__":
    import jax
    _d = setup_inputs()
    print(jax.jit(kernel)(*tuple(_d.values())))

</pallas_src>

<mosaic_0001>
#map = affine_map<(d0, d1) -> (0, 0)>
#map1 = affine_map<(d0, d1) -> (0)>
module attributes {stable_mosaic.version = 14 : i64} {
  func.func @_edge_agg(%arg0: i32, %arg1: i32, %arg2: memref<10000x144xf32, #tpu.memory_space<hbm>>, %arg3: memref<32x10240xi32, #tpu.memory_space<hbm>>, %arg4: memref<32x10240xi32, #tpu.memory_space<hbm>>, %arg5: memref<10112xi32, #tpu.memory_space<hbm>>, %arg6: memref<2176x144xf32, #tpu.memory_space<hbm>>, %arg7: memref<2176x144xf32, #tpu.memory_space<hbm>>, %arg8: memref<2176x144xf32, #tpu.memory_space<hbm>>, %arg9: memref<10240xi32, #tpu.memory_space<vmem>>, %arg10: memref<10240xi32, #tpu.memory_space<vmem>>, %arg11: memref<10624xi32, #tpu.memory_space<vmem>>, %arg12: memref<10624xi32, #tpu.memory_space<vmem>>, %arg13: memref<10112xi32, #tpu.memory_space<vmem>>, %arg14: memref<128x144xf32, #tpu.memory_space<vmem>>, %arg15: memref<128x144xf32, #tpu.memory_space<vmem>>, %arg16: memref<128x144xf32, #tpu.memory_space<vmem>>, %arg17: memref<2176x144xf32, #tpu.memory_space<vmem_shared>>, %arg18: memref<!tpu.dma_semaphore, #tpu.memory_space<semaphore_mem>>, %arg19: memref<!tpu.dma_semaphore, #tpu.memory_space<semaphore_mem>>, %arg20: memref<!tpu.dma_semaphore, #tpu.memory_space<semaphore_mem>>) attributes {dimension_semantics = [#tpu.dimension_semantics<core_parallel>, #tpu.dimension_semantics<subcore_parallel>], iteration_bounds = array<i64: 2, 16>, scalar_prefetch = 0 : i64, scratch_operands = 12 : i64, tpu.core_type = #tpu.core_type<sc_vector_subcore>, window_params = [{transform_indices = #map}, {transform_indices = #map}, {transform_indices = #map}, {transform_indices = #map1}, {transform_indices = #map}, {transform_indices = #map}, {transform_indices = #map}]} {
    %mul3A = arith.constant 2 : i32
    %mul3A_0 = arith.muli %arg1, %mul3A : i32
    %add3A = arith.addi %mul3A_0, %arg0 : i32
    %mul3A_1 = arith.constant 136 : i32
    %mul3A_2 = arith.muli %arg1, %mul3A_1 : i32
    %mul3A_3 = arith.constant 136 : i32
    %mul3A_4 = arith.muli %arg1, %mul3A_3 : i32
    "tpu.region"() ({
      %run_scoped3A = tpu.sem_alloc : memref<!tpu.dma_semaphore, #tpu.memory_space<semaphore_mem>>
      %dma_start3A = arith.constant 0 : i32
      %dma_start3A_242 = tpu.memref_slice %arg17[%mul3A_4, %dma_start3A] : memref<2176x144xf32, #tpu.memory_space<vmem_shared>> -> memref<136x144xf32, #tpu.memory_space<vmem_shared>>
      %dma_start3A_243 = arith.constant 0 : i32
      %dma_start3A_244 = tpu.memref_slice %arg6[%mul3A_2, %dma_start3A_243] : memref<2176x144xf32, #tpu.memory_space<hbm>> -> memref<136x144xf32, #tpu.memory_space<hbm>>
      tpu.enqueue_dma source(%dma_start3A_244 : memref<136x144xf32, #tpu.memory_space<hbm>>) target(%dma_start3A_242 : memref<136x144xf32, #tpu.memory_space<vmem_shared>>) target_semaphore(%run_scoped3A : memref<!tpu.dma_semaphore, #tpu.memory_space<semaphore_mem>>)
      %dma_wait3A = arith.constant 0 : i32
      %dma_wait3A_245 = tpu.memref_slice %arg17[%mul3A_4, %dma_wait3A] : memref<2176x144xf32, #tpu.memory_space<vmem_shared>> -> memref<136x144xf32, #tpu.memory_space<vmem_shared>>
      %dma_wait3A_246 = arith.constant 0 : i32
      %dma_wait3A_247 = tpu.memref_slice %arg6[%mul3A_2, %dma_wait3A_246] : memref<2176x144xf32, #tpu.memory_space<hbm>> -> memref<136x144xf32, #tpu.memory_space<hbm>>
      tpu.wait_dma2 semaphore(%run_scoped3A : memref<!tpu.dma_semaphore, #tpu.memory_space<semaphore_mem>>) src(%dma_wait3A_247 : memref<136x144xf32, #tpu.memory_space<hbm>>) dst(%dma_wait3A_245 : memref<136x144xf32, #tpu.memory_space<vmem_shared>>)
      tpu.yield
    }) : () -> ()
    %barrier3A = arith.constant 0 : index
    tpu.barrier barrier_id(%barrier3A)
    "tpu.region"() ({
      %run_scoped3A = tpu.sem_alloc : memref<!tpu.dma_semaphore, #tpu.memory_space<semaphore_mem>>
      %dma_start3A = arith.constant 0 : i32
      %dma_start3A_242 = tpu.memref_slice %arg3[%add3A, %dma_start3A] : memref<32x10240xi32, #tpu.memory_space<hbm>> -> memref<1x10240xi32, #tpu.memory_space<hbm>>
      %dma_start3A_243 = tpu.memref_squeeze %dma_start3A_242 : memref<1x10240xi32, #tpu.memory_space<hbm>> -> memref<10240xi32, #tpu.memory_space<hbm>>
      %dma_start3A_244 = arith.constant 0 : i32
      %dma_start3A_245 = tpu.memref_slice %arg3[%add3A, %dma_start3A_244] : memref<32x10240xi32, #tpu.memory_space<hbm>> -> memref<1x10240xi32, #tpu.memory_space<hbm>>
      %dma_start3A_246 = tpu.memref_squeeze %dma_start3A_245 : memref<1x10240xi32, #tpu.memory_space<hbm>> -> memref<10240xi32, #tpu.memory_space<hbm>>
      tpu.enqueue_dma source(%dma_start3A_246 : memref<10240xi32, #tpu.memory_space<hbm>>) target(%arg9 : memref<10240xi32, #tpu.memory_space<vmem>>) target_semaphore(%run_scoped3A : memref<!tpu.dma_semaphore, #tpu.memory_space<semaphore_mem>>)
      %dma_wait3A = arith.constant 0 : i32
      %dma_wait3A_247 = tpu.memref_slice %arg3[%add3A, %dma_wait3A] : memref<32x10240xi32, #tpu.memory_space<hbm>> -> memref<1x10240xi32, #tpu.memory_space<hbm>>
      %dma_wait3A_248 = tpu.memref_squeeze %dma_wait3A_247 : memref<1x10240xi32, #tpu.memory_space<hbm>> -> memref<10240xi32, #tpu.memory_space<hbm>>
      %dma_wait3A_249 = arith.constant 0 : i32
      %dma_wait3A_250 = tpu.memref_slice %arg3[%add3A, %dma_wait3A_249] : memref<32x10240xi32, #tpu.memory_space<hbm>> -> memref<1x10240xi32, #tpu.memory_space<hbm>>
      %dma_wait3A_251 = tpu.memref_squeeze %dma_wait3A_250 : memref<1x10240xi32, #tpu.memory_space<hbm>> -> memref<10240xi32, #tpu.memory_space<hbm>>
      tpu.wait_dma2 semaphore(%run_scoped3A : memref<!tpu.dma_semaphore, #tpu.memory_space<semaphore_mem>>) src(%dma_wait3A_251 : memref<10240xi32, #tpu.memory_space<hbm>>) dst(%arg9 : memref<10240xi32, #tpu.memory_space<vmem>>)
      tpu.yield
    }) : () -> ()
    "tpu.region"() ({
      %run_scoped3A = tpu.sem_alloc : memref<!tpu.dma_semaphore, #tpu.memory_space<semaphore_mem>>
      %dma_start3A = arith.constant 0 : i32
      %dma_start3A_242 = tpu.memref_slice %arg4[%add3A, %dma_start3A] : memref<32x10240xi32, #tpu.memory_space<hbm>> -> memref<1x10240xi32, #tpu.memory_space<hbm>>
      %dma_start3A_243 = tpu.memref_squeeze %dma_start3A_242 : memref<1x10240xi32, #tpu.memory_space<hbm>> -> memref<10240xi32, #tpu.memory_space<hbm>>
      %dma_start3A_244 = arith.constant 0 : i32
      %dma_start3A_245 = tpu.memref_slice %arg4[%add3A, %dma_start3A_244] : memref<32x10240xi32, #tpu.memory_space<hbm>> -> memref<1x10240xi32, #tpu.memory_space<hbm>>
      %dma_start3A_246 = tpu.memref_squeeze %dma_start3A_245 : memref<1x10240xi32, #tpu.memory_space<hbm>> -> memref<10240xi32, #tpu.memory_space<hbm>>
      tpu.enqueue_dma source(%dma_start3A_246 : memref<10240xi32, #tpu.memory_space<hbm>>) target(%arg10 : memref<10240xi32, #tpu.memory_space<vmem>>) target_semaphore(%run_scoped3A : memref<!tpu.dma_semaphore, #tpu.memory_space<semaphore_mem>>)
      %dma_wait3A = arith.constant 0 : i32
      %dma_wait3A_247 = tpu.memref_slice %arg4[%add3A, %dma_wait3A] : memref<32x10240xi32, #tpu.memory_space<hbm>> -> memref<1x10240xi32, #tpu.memory_space<hbm>>
      %dma_wait3A_248 = tpu.memref_squeeze %dma_wait3A_247 : memref<1x10240xi32, #tpu.memory_space<hbm>> -> memref<10240xi32, #tpu.memory_space<hbm>>
      %dma_wait3A_249 = arith.constant 0 : i32
      %dma_wait3A_250 = tpu.memref_slice %arg4[%add3A, %dma_wait3A_249] : memref<32x10240xi32, #tpu.memory_space<hbm>> -> memref<1x10240xi32, #tpu.memory_space<hbm>>
      %dma_wait3A_251 = tpu.memref_squeeze %dma_wait3A_250 : memref<1x10240xi32, #tpu.memory_space<hbm>> -> memref<10240xi32, #tpu.memory_space<hbm>>
      tpu.wait_dma2 semaphore(%run_scoped3A : memref<!tpu.dma_semaphore, #tpu.memory_space<semaphore_mem>>) src(%dma_wait3A_251 : memref<10240xi32, #tpu.memory_space<hbm>>) dst(%arg10 : memref<10240xi32, #tpu.memory_space<vmem>>)
      tpu.yield
    }) : () -> ()
    "tpu.region"() ({
      %run_scoped3A = tpu.sem_alloc : memref<!tpu.dma_semaphore, #tpu.memory_space<semaphore_mem>>
      tpu.enqueue_dma source(%arg5 : memref<10112xi32, #tpu.memory_space<hbm>>) target(%arg13 : memref<10112xi32, #tpu.memory_space<vmem>>) target_semaphore(%run_scoped3A : memref<!tpu.dma_semaphore, #tpu.memory_space<semaphore_mem>>)
      tpu.wait_dma2 semaphore(%run_scoped3A : memref<!tpu.dma_semaphore, #tpu.memory_space<semaphore_mem>>) src(%arg5 : memref<10112xi32, #tpu.memory_space<hbm>>) dst(%arg13 : memref<10112xi32, #tpu.memory_space<vmem>>)
      tpu.yield
    }) : () -> ()
    %scan3A = arith.constant 0 : i32
    %scan3A_5 = arith.constant 0 : i32
    %scan3A_6 = arith.constant 640 : i32
    %scan3A_7 = arith.addi %scan3A_5, %scan3A_6 : i32
    %scan3A_8 = arith.constant 1 : i32
    %scan3A_9 = scf.for %scan3A_242 = %scan3A_5 to %scan3A_7 step %scan3A_8 iter_args(%scan3A_243 = %scan3A) -> (i32)  : i32 {
      %mul3A_244 = arith.constant 16 : i32
      %mul3A_245 = arith.muli %scan3A_242, %mul3A_244 : i32
      %get3A = arith.index_cast %mul3A_245 : i32 to index
      %get3A_246 = tpu.vector_load %arg9[%get3A] {strides = array<i32>} : memref<10240xi32, #tpu.memory_space<vmem>>, vector<16xi32>,
      %mul3A_247 = arith.constant 16 : i32
      %mul3A_248 = arith.muli %scan3A_242, %mul3A_247 : i32
      %get3A_249 = arith.index_cast %mul3A_248 : i32 to index
      %get3A_250 = tpu.vector_load %arg10[%get3A_249] {strides = array<i32>} : memref<10240xi32, #tpu.memory_space<vmem>>, vector<16xi32>,
      %gather3A = tpu.vector_load_idx %arg13[%get3A_250] : memref<10112xi32, #tpu.memory_space<vmem>>[vector<16xi32>], vector<16xi32>,
      %lt3A = arith.constant 2048 : i32
      %lt3A_251 = vector.broadcast %lt3A : i32 to vector<16xi32>
      %lt3A_252 = arith.cmpi slt, %gather3A, %lt3A_251 : vector<16xi32>
      %swap3A_253 = arith.index_cast %scan3A_243 : i32 to index
      %swap3A_254 = tpu.vector_load %arg11[%swap3A_253] masked %lt3A_252 {strides = array<i32>} : memref<10624xi32, #tpu.memory_space<vmem>>, vector<16xi32>, vector<16xi1>
      tpu.vector_store %arg11[%swap3A_253], %get3A_246 masked %lt3A_252 {strides = array<i32>} : memref<10624xi32, #tpu.memory_space<vmem>>, vector<16xi32>, vector<16xi1>
      %swap3A_255 = arith.index_cast %scan3A_243 : i32 to index
      %swap3A_256 = tpu.vector_load %arg12[%swap3A_255] masked %lt3A_252 {strides = array<i32>} : memref<10624xi32, #tpu.memory_space<vmem>>, vector<16xi32>, vector<16xi1>
      tpu.vector_store %arg12[%swap3A_255], %gather3A masked %lt3A_252 {strides = array<i32>} : memref<10624xi32, #tpu.memory_space<vmem>>, vector<16xi32>, vector<16xi1>
      %all_reduce_population_count3A = tpu.all_reduce %lt3A_252 {dim = 0 : i64, kind = #tpu.reduction_kind<sum>} : vector<16xi1> -> vector<16xi32>
      %reduce_max3A = arith.constant true
      %reduce_max3A_257 = vector.broadcast %reduce_max3A : i1 to vector<16xi1>
      %reduce_max3A_258 = arith.constant -2147483648 : i32
      %reduce_max3A_259 = vector.broadcast %reduce_max3A_258 : i32 to vector<16xi32>
      %reduce_max3A_260 = arith.xori %all_reduce_population_count3A, %reduce_max3A_259 : vector<16xi32>
      %reduce_max3A_261 = tpu.scan <max>, %reduce_max3A_260 masked %reduce_max3A_257 : vector<16xi32>, vector<16xi1> -> vector<16xi32>
      %reduce_max3A_262 = arith.xori %reduce_max3A_261, %reduce_max3A_259 : vector<16xi32>
      %reduce_max3A_263 = vector.extract %reduce_max3A_262[15] : i32 from vector<16xi32>
      %add3A_264 = arith.addi %scan3A_243, %reduce_max3A_263 : i32
      scf.yield %add3A_264 : i32
    }
    %scan3A_10 = arith.constant 640 : i32
    %broadcast_in_dim3A = arith.constant 0 : i32
    %broadcast_in_dim3A_11 = vector.broadcast %broadcast_in_dim3A : i32 to vector<16xi32>
    %broadcast_in_dim3A_12 = arith.constant 2048 : i32
    %broadcast_in_dim3A_13 = vector.broadcast %broadcast_in_dim3A_12 : i32 to vector<16xi32>
    %add3A_14 = arith.constant 0 : i32
    %add3A_15 = arith.addi %scan3A_9, %add3A_14 : i32
    %swap3A = arith.index_cast %add3A_15 : i32 to index
    %swap3A_16 = tpu.vector_load %arg11[%swap3A] {strides = array<i32>} : memref<10624xi32, #tpu.memory_space<vmem>>, vector<16xi32>,
    tpu.vector_store %arg11[%swap3A], %broadcast_in_dim3A_11 {strides = array<i32>} : memref<10624xi32, #tpu.memory_space<vmem>>, vector<16xi32>,
    %add3A_17 = arith.constant 0 : i32
    %add3A_18 = arith.addi %scan3A_9, %add3A_17 : i32
    %swap3A_19 = arith.index_cast %add3A_18 : i32 to index
    %swap3A_20 = tpu.vector_load %arg12[%swap3A_19] {strides = array<i32>} : memref<10624xi32, #tpu.memory_space<vmem>>, vector<16xi32>,
    tpu.vector_store %arg12[%swap3A_19], %broadcast_in_dim3A_13 {strides = array<i32>} : memref<10624xi32, #tpu.memory_space<vmem>>, vector<16xi32>,
    %add3A_21 = arith.constant 16 : i32
    %add3A_22 = arith.addi %scan3A_9, %add3A_21 : i32
    %swap3A_23 = arith.index_cast %add3A_22 : i32 to index
    %swap3A_24 = tpu.vector_load %arg11[%swap3A_23] {strides = array<i32>} : memref<10624xi32, #tpu.memory_space<vmem>>, vector<16xi32>,
    tpu.vector_store %arg11[%swap3A_23], %broadcast_in_dim3A_11 {strides = array<i32>} : memref<10624xi32, #tpu.memory_space<vmem>>, vector<16xi32>,
    %add3A_25 = arith.constant 16 : i32
    %add3A_26 = arith.addi %scan3A_9, %add3A_25 : i32
    %swap3A_27 = arith.index_cast %add3A_26 : i32 to index
    %swap3A_28 = tpu.vector_load %arg12[%swap3A_27] {strides = array<i32>} : memref<10624xi32, #tpu.memory_space<vmem>>, vector<16xi32>,
    tpu.vector_store %arg12[%swap3A_27], %broadcast_in_dim3A_13 {strides = array<i32>} : memref<10624xi32, #tpu.memory_space<vmem>>, vector<16xi32>,
    %add3A_29 = arith.constant 32 : i32
    %add3A_30 = arith.addi %scan3A_9, %add3A_29 : i32
    %swap3A_31 = arith.index_cast %add3A_30 : i32 to index
    %swap3A_32 = tpu.vector_load %arg11[%swap3A_31] {strides = array<i32>} : memref<10624xi32, #tpu.memory_space<vmem>>, vector<16xi32>,
    tpu.vector_store %arg11[%swap3A_31], %broadcast_in_dim3A_11 {strides = array<i32>} : memref<10624xi32, #tpu.memory_space<vmem>>, vector<16xi32>,
    %add3A_33 = arith.constant 32 : i32
    %add3A_34 = arith.addi %scan3A_9, %add3A_33 : i32
    %swap3A_35 = arith.index_cast %add3A_34 : i32 to index
    %swap3A_36 = tpu.vector_load %arg12[%swap3A_35] {strides = array<i32>} : memref<10624xi32, #tpu.memory_space<vmem>>, vector<16xi32>,
    tpu.vector_store %arg12[%swap3A_35], %broadcast_in_dim3A_13 {strides = array<i32>} : memref<10624xi32, #tpu.memory_space<vmem>>, vector<16xi32>,
    %add3A_37 = arith.constant 48 : i32
    %add3A_38 = arith.addi %scan3A_9, %add3A_37 : i32
    %swap3A_39 = arith.index_cast %add3A_38 : i32 to index
    %swap3A_40 = tpu.vector_load %arg11[%swap3A_39] {strides = array<i32>} : memref<10624xi32, #tpu.memory_space<vmem>>, vector<16xi32>,
    tpu.vector_store %arg11[%swap3A_39], %broadcast_in_dim3A_11 {strides = array<i32>} : memref<10624xi32, #tpu.memory_space<vmem>>, vector<16xi32>,
    %add3A_41 = arith.constant 48 : i32
    %add3A_42 = arith.addi %scan3A_9, %add3A_41 : i32
    %swap3A_43 = arith.index_cast %add3A_42 : i32 to index
    %swap3A_44 = tpu.vector_load %arg12[%swap3A_43] {strides = array<i32>} : memref<10624xi32, #tpu.memory_space<vmem>>, vector<16xi32>,
    tpu.vector_store %arg12[%swap3A_43], %broadcast_in_dim3A_13 {strides = array<i32>} : memref<10624xi32, #tpu.memory_space<vmem>>, vector<16xi32>,
    %add3A_45 = arith.constant 64 : i32
    %add3A_46 = arith.addi %scan3A_9, %add3A_45 : i32
    %swap3A_47 = arith.index_cast %add3A_46 : i32 to index
    %swap3A_48 = tpu.vector_load %arg11[%swap3A_47] {strides = array<i32>} : memref<10624xi32, #tpu.memory_space<vmem>>, vector<16xi32>,
    tpu.vector_store %arg11[%swap3A_47], %broadcast_in_dim3A_11 {strides = array<i32>} : memref<10624xi32, #tpu.memory_space<vmem>>, vector<16xi32>,
    %add3A_49 = arith.constant 64 : i32
    %add3A_50 = arith.addi %scan3A_9, %add3A_49 : i32
    %swap3A_51 = arith.index_cast %add3A_50 : i32 to index
    %swap3A_52 = tpu.vector_load %arg12[%swap3A_51] {strides = array<i32>} : memref<10624xi32, #tpu.memory_space<vmem>>, vector<16xi32>,
    tpu.vector_store %arg12[%swap3A_51], %broadcast_in_dim3A_13 {strides = array<i32>} : memref<10624xi32, #tpu.memory_space<vmem>>, vector<16xi32>,
    %add3A_53 = arith.constant 80 : i32
    %add3A_54 = arith.addi %scan3A_9, %add3A_53 : i32
    %swap3A_55 = arith.index_cast %add3A_54 : i32 to index
    %swap3A_56 = tpu.vector_load %arg11[%swap3A_55] {strides = array<i32>} : memref<10624xi32, #tpu.memory_space<vmem>>, vector<16xi32>,
    tpu.vector_store %arg11[%swap3A_55], %broadcast_in_dim3A_11 {strides = array<i32>} : memref<10624xi32, #tpu.memory_space<vmem>>, vector<16xi32>,
    %add3A_57 = arith.constant 80 : i32
    %add3A_58 = arith.addi %scan3A_9, %add3A_57 : i32
    %swap3A_59 = arith.index_cast %add3A_58 : i32 to index
    %swap3A_60 = tpu.vector_load %arg12[%swap3A_59] {strides = array<i32>} : memref<10624xi32, #tpu.memory_space<vmem>>, vector<16xi32>,
    tpu.vector_store %arg12[%swap3A_59], %broadcast_in_dim3A_13 {strides = array<i32>} : memref<10624xi32, #tpu.memory_space<vmem>>, vector<16xi32>,
    %add3A_61 = arith.constant 96 : i32
    %add3A_62 = arith.addi %scan3A_9, %add3A_61 : i32
    %swap3A_63 = arith.index_cast %add3A_62 : i32 to index
    %swap3A_64 = tpu.vector_load %arg11[%swap3A_63] {strides = array<i32>} : memref<10624xi32, #tpu.memory_space<vmem>>, vector<16xi32>,
    tpu.vector_store %arg11[%swap3A_63], %broadcast_in_dim3A_11 {strides = array<i32>} : memref<10624xi32, #tpu.memory_space<vmem>>, vector<16xi32>,
    %add3A_65 = arith.constant 96 : i32
    %add3A_66 = arith.addi %scan3A_9, %add3A_65 : i32
    %swap3A_67 = arith.index_cast %add3A_66 : i32 to index
    %swap3A_68 = tpu.vector_load %arg12[%swap3A_67] {strides = array<i32>} : memref<10624xi32, #tpu.memory_space<vmem>>, vector<16xi32>,
    tpu.vector_store %arg12[%swap3A_67], %broadcast_in_dim3A_13 {strides = array<i32>} : memref<10624xi32, #tpu.memory_space<vmem>>, vector<16xi32>,
    %add3A_69 = arith.constant 112 : i32
    %add3A_70 = arith.addi %scan3A_9, %add3A_69 : i32
    %swap3A_71 = arith.index_cast %add3A_70 : i32 to index
    %swap3A_72 = tpu.vector_load %arg11[%swap3A_71] {strides = array<i32>} : memref<10624xi32, #tpu.memory_space<vmem>>, vector<16xi32>,
    tpu.vector_store %arg11[%swap3A_71], %broadcast_in_dim3A_11 {strides = array<i32>} : memref<10624xi32, #tpu.memory_space<vmem>>, vector<16xi32>,
    %add3A_73 = arith.constant 112 : i32
    %add3A_74 = arith.addi %scan3A_9, %add3A_73 : i32
    %swap3A_75 = arith.index_cast %add3A_74 : i32 to index
    %swap3A_76 = tpu.vector_load %arg12[%swap3A_75] {strides = array<i32>} : memref<10624xi32, #tpu.memory_space<vmem>>, vector<16xi32>,
    tpu.vector_store %arg12[%swap3A_75], %broadcast_in_dim3A_13 {strides = array<i32>} : memref<10624xi32, #tpu.memory_space<vmem>>, vector<16xi32>,
    %add3A_77 = arith.constant 128 : i32
    %add3A_78 = arith.addi %scan3A_9, %add3A_77 : i32
    %swap3A_79 = arith.index_cast %add3A_78 : i32 to index
    %swap3A_80 = tpu.vector_load %arg11[%swap3A_79] {strides = array<i32>} : memref<10624xi32, #tpu.memory_space<vmem>>, vector<16xi32>,
    tpu.vector_store %arg11[%swap3A_79], %broadcast_in_dim3A_11 {strides = array<i32>} : memref<10624xi32, #tpu.memory_space<vmem>>, vector<16xi32>,
    %add3A_81 = arith.constant 128 : i32
    %add3A_82 = arith.addi %scan3A_9, %add3A_81 : i32
    %swap3A_83 = arith.index_cast %add3A_82 : i32 to index
    %swap3A_84 = tpu.vector_load %arg12[%swap3A_83] {strides = array<i32>} : memref<10624xi32, #tpu.memory_space<vmem>>, vector<16xi32>,
    tpu.vector_store %arg12[%swap3A_83], %broadcast_in_dim3A_13 {strides = array<i32>} : memref<10624xi32, #tpu.memory_space<vmem>>, vector<16xi32>,
    %add3A_85 = arith.constant 144 : i32
    %add3A_86 = arith.addi %scan3A_9, %add3A_85 : i32
    %swap3A_87 = arith.index_cast %add3A_86 : i32 to index
    %swap3A_88 = tpu.vector_load %arg11[%swap3A_87] {strides = array<i32>} : memref<10624xi32, #tpu.memory_space<vmem>>, vector<16xi32>,
    tpu.vector_store %arg11[%swap3A_87], %broadcast_in_dim3A_11 {strides = array<i32>} : memref<10624xi32, #tpu.memory_space<vmem>>, vector<16xi32>,
    %add3A_89 = arith.constant 144 : i32
    %add3A_90 = arith.addi %scan3A_9, %add3A_89 : i32
    %swap3A_91 = arith.index_cast %add3A_90 : i32 to index
    %swap3A_92 = tpu.vector_load %arg12[%swap3A_91] {strides = array<i32>} : memref<10624xi32, #tpu.memory_space<vmem>>, vector<16xi32>,
    tpu.vector_store %arg12[%swap3A_91], %broadcast_in_dim3A_13 {strides = array<i32>} : memref<10624xi32, #tpu.memory_space<vmem>>, vector<16xi32>,
    %add3A_93 = arith.constant 160 : i32
    %add3A_94 = arith.addi %scan3A_9, %add3A_93 : i32
    %swap3A_95 = arith.index_cast %add3A_94 : i32 to index
    %swap3A_96 = tpu.vector_load %arg11[%swap3A_95] {strides = array<i32>} : memref<10624xi32, #tpu.memory_space<vmem>>, vector<16xi32>,
    tpu.vector_store %arg11[%swap3A_95], %broadcast_in_dim3A_11 {strides = array<i32>} : memref<10624xi32, #tpu.memory_space<vmem>>, vector<16xi32>,
    %add3A_97 = arith.constant 160 : i32
    %add3A_98 = arith.addi %scan3A_9, %add3A_97 : i32
    %swap3A_99 = arith.index_cast %add3A_98 : i32 to index
    %swap3A_100 = tpu.vector_load %arg12[%swap3A_99] {strides = array<i32>} : memref<10624xi32, #tpu.memory_space<vmem>>, vector<16xi32>,
    tpu.vector_store %arg12[%swap3A_99], %broadcast_in_dim3A_13 {strides = array<i32>} : memref<10624xi32, #tpu.memory_space<vmem>>, vector<16xi32>,
    %add3A_101 = arith.constant 176 : i32
    %add3A_102 = arith.addi %scan3A_9, %add3A_101 : i32
    %swap3A_103 = arith.index_cast %add3A_102 : i32 to index
    %swap3A_104 = tpu.vector_load %arg11[%swap3A_103] {strides = array<i32>} : memref<10624xi32, #tpu.memory_space<vmem>>, vector<16xi32>,
    tpu.vector_store %arg11[%swap3A_103], %broadcast_in_dim3A_11 {strides = array<i32>} : memref<10624xi32, #tpu.memory_space<vmem>>, vector<16xi32>,
    %add3A_105 = arith.constant 176 : i32
    %add3A_106 = arith.addi %scan3A_9, %add3A_105 : i32
    %swap3A_107 = arith.index_cast %add3A_106 : i32 to index
    %swap3A_108 = tpu.vector_load %arg12[%swap3A_107] {strides = array<i32>} : memref<10624xi32, #tpu.memory_space<vmem>>, vector<16xi32>,
    tpu.vector_store %arg12[%swap3A_107], %broadcast_in_dim3A_13 {strides = array<i32>} : memref<10624xi32, #tpu.memory_space<vmem>>, vector<16xi32>,
    %add3A_109 = arith.constant 192 : i32
    %add3A_110 = arith.addi %scan3A_9, %add3A_109 : i32
    %swap3A_111 = arith.index_cast %add3A_110 : i32 to index
    %swap3A_112 = tpu.vector_load %arg11[%swap3A_111] {strides = array<i32>} : memref<10624xi32, #tpu.memory_space<vmem>>, vector<16xi32>,
    tpu.vector_store %arg11[%swap3A_111], %broadcast_in_dim3A_11 {strides = array<i32>} : memref<10624xi32, #tpu.memory_space<vmem>>, vector<16xi32>,
    %add3A_113 = arith.constant 192 : i32
    %add3A_114 = arith.addi %scan3A_9, %add3A_113 : i32
    %swap3A_115 = arith.index_cast %add3A_114 : i32 to index
    %swap3A_116 = tpu.vector_load %arg12[%swap3A_115] {strides = array<i32>} : memref<10624xi32, #tpu.memory_space<vmem>>, vector<16xi32>,
    tpu.vector_store %arg12[%swap3A_115], %broadcast_in_dim3A_13 {strides = array<i32>} : memref<10624xi32, #tpu.memory_space<vmem>>, vector<16xi32>,
    %add3A_117 = arith.constant 208 : i32
    %add3A_118 = arith.addi %scan3A_9, %add3A_117 : i32
    %swap3A_119 = arith.index_cast %add3A_118 : i32 to index
    %swap3A_120 = tpu.vector_load %arg11[%swap3A_119] {strides = array<i32>} : memref<10624xi32, #tpu.memory_space<vmem>>, vector<16xi32>,
    tpu.vector_store %arg11[%swap3A_119], %broadcast_in_dim3A_11 {strides = array<i32>} : memref<10624xi32, #tpu.memory_space<vmem>>, vector<16xi32>,
    %add3A_121 = arith.constant 208 : i32
    %add3A_122 = arith.addi %scan3A_9, %add3A_121 : i32
    %swap3A_123 = arith.index_cast %add3A_122 : i32 to index
    %swap3A_124 = tpu.vector_load %arg12[%swap3A_123] {strides = array<i32>} : memref<10624xi32, #tpu.memory_space<vmem>>, vector<16xi32>,
    tpu.vector_store %arg12[%swap3A_123], %broadcast_in_dim3A_13 {strides = array<i32>} : memref<10624xi32, #tpu.memory_space<vmem>>, vector<16xi32>,
    %add3A_125 = arith.constant 224 : i32
    %add3A_126 = arith.addi %scan3A_9, %add3A_125 : i32
    %swap3A_127 = arith.index_cast %add3A_126 : i32 to index
    %swap3A_128 = tpu.vector_load %arg11[%swap3A_127] {strides = array<i32>} : memref<10624xi32, #tpu.memory_space<vmem>>, vector<16xi32>,
    tpu.vector_store %arg11[%swap3A_127], %broadcast_in_dim3A_11 {strides = array<i32>} : memref<10624xi32, #tpu.memory_space<vmem>>, vector<16xi32>,
    %add3A_129 = arith.constant 224 : i32
    %add3A_130 = arith.addi %scan3A_9, %add3A_129 : i32
    %swap3A_131 = arith.index_cast %add3A_130 : i32 to index
    %swap3A_132 = tpu.vector_load %arg12[%swap3A_131] {strides = array<i32>} : memref<10624xi32, #tpu.memory_space<vmem>>, vector<16xi32>,
    tpu.vector_store %arg12[%swap3A_131], %broadcast_in_dim3A_13 {strides = array<i32>} : memref<10624xi32, #tpu.memory_space<vmem>>, vector<16xi32>,
    %add3A_133 = arith.constant 240 : i32
    %add3A_134 = arith.addi %scan3A_9, %add3A_133 : i32
    %swap3A_135 = arith.index_cast %add3A_134 : i32 to index
    %swap3A_136 = tpu.vector_load %arg11[%swap3A_135] {strides = array<i32>} : memref<10624xi32, #tpu.memory_space<vmem>>, vector<16xi32>,
    tpu.vector_store %arg11[%swap3A_135], %broadcast_in_dim3A_11 {strides = array<i32>} : memref<10624xi32, #tpu.memory_space<vmem>>, vector<16xi32>,
    %add3A_137 = arith.constant 240 : i32
    %add3A_138 = arith.addi %scan3A_9, %add3A_137 : i32
    %swap3A_139 = arith.index_cast %add3A_138 : i32 to index
    %swap3A_140 = tpu.vector_load %arg12[%swap3A_139] {strides = array<i32>} : memref<10624xi32, #tpu.memory_space<vmem>>, vector<16xi32>,
    tpu.vector_store %arg12[%swap3A_139], %broadcast_in_dim3A_13 {strides = array<i32>} : memref<10624xi32, #tpu.memory_space<vmem>>, vector<16xi32>,
    %add3A_141 = arith.constant 256 : i32
    %add3A_142 = arith.addi %scan3A_9, %add3A_141 : i32
    %swap3A_143 = arith.index_cast %add3A_142 : i32 to index
    %swap3A_144 = tpu.vector_load %arg11[%swap3A_143] {strides = array<i32>} : memref<10624xi32, #tpu.memory_space<vmem>>, vector<16xi32>,
    tpu.vector_store %arg11[%swap3A_143], %broadcast_in_dim3A_11 {strides = array<i32>} : memref<10624xi32, #tpu.memory_space<vmem>>, vector<16xi32>,
    %add3A_145 = arith.constant 256 : i32
    %add3A_146 = arith.addi %scan3A_9, %add3A_145 : i32
    %swap3A_147 = arith.index_cast %add3A_146 : i32 to index
    %swap3A_148 = tpu.vector_load %arg12[%swap3A_147] {strides = array<i32>} : memref<10624xi32, #tpu.memory_space<vmem>>, vector<16xi32>,
    tpu.vector_store %arg12[%swap3A_147], %broadcast_in_dim3A_13 {strides = array<i32>} : memref<10624xi32, #tpu.memory_space<vmem>>, vector<16xi32>,
    %add3A_149 = arith.constant 272 : i32
    %add3A_150 = arith.addi %scan3A_9, %add3A_149 : i32
    %swap3A_151 = arith.index_cast %add3A_150 : i32 to index
    %swap3A_152 = tpu.vector_load %arg11[%swap3A_151] {strides = array<i32>} : memref<10624xi32, #tpu.memory_space<vmem>>, vector<16xi32>,
    tpu.vector_store %arg11[%swap3A_151], %broadcast_in_dim3A_11 {strides = array<i32>} : memref<10624xi32, #tpu.memory_space<vmem>>, vector<16xi32>,
    %add3A_153 = arith.constant 272 : i32
    %add3A_154 = arith.addi %scan3A_9, %add3A_153 : i32
    %swap3A_155 = arith.index_cast %add3A_154 : i32 to index
    %swap3A_156 = tpu.vector_load %arg12[%swap3A_155] {strides = array<i32>} : memref<10624xi32, #tpu.memory_space<vmem>>, vector<16xi32>,
    tpu.vector_store %arg12[%swap3A_155], %broadcast_in_dim3A_13 {strides = array<i32>} : memref<10624xi32, #tpu.memory_space<vmem>>, vector<16xi32>,
    %add3A_157 = arith.constant 288 : i32
    %add3A_158 = arith.addi %scan3A_9, %add3A_157 : i32
    %swap3A_159 = arith.index_cast %add3A_158 : i32 to index
    %swap3A_160 = tpu.vector_load %arg11[%swap3A_159] {strides = array<i32>} : memref<10624xi32, #tpu.memory_space<vmem>>, vector<16xi32>,
    tpu.vector_store %arg11[%swap3A_159], %broadcast_in_dim3A_11 {strides = array<i32>} : memref<10624xi32, #tpu.memory_space<vmem>>, vector<16xi32>,
    %add3A_161 = arith.constant 288 : i32
    %add3A_162 = arith.addi %scan3A_9, %add3A_161 : i32
    %swap3A_163 = arith.index_cast %add3A_162 : i32 to index
    %swap3A_164 = tpu.vector_load %arg12[%swap3A_163] {strides = array<i32>} : memref<10624xi32, #tpu.memory_space<vmem>>, vector<16xi32>,
    tpu.vector_store %arg12[%swap3A_163], %broadcast_in_dim3A_13 {strides = array<i32>} : memref<10624xi32, #tpu.memory_space<vmem>>, vector<16xi32>,
    %add3A_165 = arith.constant 304 : i32
    %add3A_166 = arith.addi %scan3A_9, %add3A_165 : i32
    %swap3A_167 = arith.index_cast %add3A_166 : i32 to index
    %swap3A_168 = tpu.vector_load %arg11[%swap3A_167] {strides = array<i32>} : memref<10624xi32, #tpu.memory_space<vmem>>, vector<16xi32>,
    tpu.vector_store %arg11[%swap3A_167], %broadcast_in_dim3A_11 {strides = array<i32>} : memref<10624xi32, #tpu.memory_space<vmem>>, vector<16xi32>,
    %add3A_169 = arith.constant 304 : i32
    %add3A_170 = arith.addi %scan3A_9, %add3A_169 : i32
    %swap3A_171 = arith.index_cast %add3A_170 : i32 to index
    %swap3A_172 = tpu.vector_load %arg12[%swap3A_171] {strides = array<i32>} : memref<10624xi32, #tpu.memory_space<vmem>>, vector<16xi32>,
    tpu.vector_store %arg12[%swap3A_171], %broadcast_in_dim3A_13 {strides = array<i32>} : memref<10624xi32, #tpu.memory_space<vmem>>, vector<16xi32>,
    %add3A_173 = arith.constant 320 : i32
    %add3A_174 = arith.addi %scan3A_9, %add3A_173 : i32
    %swap3A_175 = arith.index_cast %add3A_174 : i32 to index
    %swap3A_176 = tpu.vector_load %arg11[%swap3A_175] {strides = array<i32>} : memref<10624xi32, #tpu.memory_space<vmem>>, vector<16xi32>,
    tpu.vector_store %arg11[%swap3A_175], %broadcast_in_dim3A_11 {strides = array<i32>} : memref<10624xi32, #tpu.memory_space<vmem>>, vector<16xi32>,
    %add3A_177 = arith.constant 320 : i32
    %add3A_178 = arith.addi %scan3A_9, %add3A_177 : i32
    %swap3A_179 = arith.index_cast %add3A_178 : i32 to index
    %swap3A_180 = tpu.vector_load %arg12[%swap3A_179] {strides = array<i32>} : memref<10624xi32, #tpu.memory_space<vmem>>, vector<16xi32>,
    tpu.vector_store %arg12[%swap3A_179], %broadcast_in_dim3A_13 {strides = array<i32>} : memref<10624xi32, #tpu.memory_space<vmem>>, vector<16xi32>,
    %add3A_181 = arith.constant 336 : i32
    %add3A_182 = arith.addi %scan3A_9, %add3A_181 : i32
    %swap3A_183 = arith.index_cast %add3A_182 : i32 to index
    %swap3A_184 = tpu.vector_load %arg11[%swap3A_183] {strides = array<i32>} : memref<10624xi32, #tpu.memory_space<vmem>>, vector<16xi32>,
    tpu.vector_store %arg11[%swap3A_183], %broadcast_in_dim3A_11 {strides = array<i32>} : memref<10624xi32, #tpu.memory_space<vmem>>, vector<16xi32>,
    %add3A_185 = arith.constant 336 : i32
    %add3A_186 = arith.addi %scan3A_9, %add3A_185 : i32
    %swap3A_187 = arith.index_cast %add3A_186 : i32 to index
    %swap3A_188 = tpu.vector_load %arg12[%swap3A_187] {strides = array<i32>} : memref<10624xi32, #tpu.memory_space<vmem>>, vector<16xi32>,
    tpu.vector_store %arg12[%swap3A_187], %broadcast_in_dim3A_13 {strides = array<i32>} : memref<10624xi32, #tpu.memory_space<vmem>>, vector<16xi32>,
    %add3A_189 = arith.constant 352 : i32
    %add3A_190 = arith.addi %scan3A_9, %add3A_189 : i32
    %swap3A_191 = arith.index_cast %add3A_190 : i32 to index
    %swap3A_192 = tpu.vector_load %arg11[%swap3A_191] {strides = array<i32>} : memref<10624xi32, #tpu.memory_space<vmem>>, vector<16xi32>,
    tpu.vector_store %arg11[%swap3A_191], %broadcast_in_dim3A_11 {strides = array<i32>} : memref<10624xi32, #tpu.memory_space<vmem>>, vector<16xi32>,
    %add3A_193 = arith.constant 352 : i32
    %add3A_194 = arith.addi %scan3A_9, %add3A_193 : i32
    %swap3A_195 = arith.index_cast %add3A_194 : i32 to index
    %swap3A_196 = tpu.vector_load %arg12[%swap3A_195] {strides = array<i32>} : memref<10624xi32, #tpu.memory_space<vmem>>, vector<16xi32>,
    tpu.vector_store %arg12[%swap3A_195], %broadcast_in_dim3A_13 {strides = array<i32>} : memref<10624xi32, #tpu.memory_space<vmem>>, vector<16xi32>,
    %add3A_197 = arith.constant 368 : i32
    %add3A_198 = arith.addi %scan3A_9, %add3A_197 : i32
    %swap3A_199 = arith.index_cast %add3A_198 : i32 to index
    %swap3A_200 = tpu.vector_load %arg11[%swap3A_199] {strides = array<i32>} : memref<10624xi32, #tpu.memory_space<vmem>>, vector<16xi32>,
    tpu.vector_store %arg11[%swap3A_199], %broadcast_in_dim3A_11 {strides = array<i32>} : memref<10624xi32, #tpu.memory_space<vmem>>, vector<16xi32>,
    %add3A_201 = arith.constant 368 : i32
    %add3A_202 = arith.addi %scan3A_9, %add3A_201 : i32
    %swap3A_203 = arith.index_cast %add3A_202 : i32 to index
    %swap3A_204 = tpu.vector_load %arg12[%swap3A_203] {strides = array<i32>} : memref<10624xi32, #tpu.memory_space<vmem>>, vector<16xi32>,
    tpu.vector_store %arg12[%swap3A_203], %broadcast_in_dim3A_13 {strides = array<i32>} : memref<10624xi32, #tpu.memory_space<vmem>>, vector<16xi32>,
    %add3A_205 = arith.constant 384 : i32
    %add3A_206 = arith.addi %scan3A_9, %add3A_205 : i32
    %sub3A = arith.constant 1 : i32
    %sub3A_207 = arith.subi %add3A_206, %sub3A : i32
    %jit3A = arith.constant 384 : i32
    %div3A = arith.divsi %sub3A_207, %jit3A : i32
    %sign3A = arith.constant 0 : i32
    %sign3A_208 = arith.cmpi sgt, %sub3A_207, %sign3A : i32
    %sign3A_209 = arith.extui %sign3A_208 : i1 to i32
    %sign3A_210 = arith.constant 0 : i32
    %sign3A_211 = arith.cmpi slt, %sub3A_207, %sign3A_210 : i32
    %sign3A_212 = arith.extui %sign3A_211 : i1 to i32
    %sign3A_213 = arith.subi %sign3A_209, %sign3A_212 : i32
    %sign3A_214 = arith.constant 0 : i32
    %sign3A_215 = arith.cmpi sgt, %jit3A, %sign3A_214 : i32
    %sign3A_216 = arith.extui %sign3A_215 : i1 to i32
    %sign3A_217 = arith.constant 0 : i32
    %sign3A_218 = arith.cmpi slt, %jit3A, %sign3A_217 : i32
    %sign3A_219 = arith.extui %sign3A_218 : i1 to i32
    %sign3A_220 = arith.subi %sign3A_216, %sign3A_219 : i32
    %ne3A = arith.cmpi ne, %sign3A_213, %sign3A_220 : i32
    %rem3A = arith.remsi %sub3A_207, %jit3A : i32
    %ne3A_221 = arith.constant 0 : i32
    %ne3A_222 = arith.cmpi ne, %rem3A, %ne3A_221 : i32
    %and3A = arith.andi %ne3A, %ne3A_222 : i1
    %sub3A_223 = arith.constant 1 : i32
    %sub3A_224 = arith.subi %div3A, %sub3A_223 : i32
    %select_n3A = arith.select %and3A, %sub3A_224, %div3A : i32
    %while3A = arith.constant 0 : i32
    %while3A_225 = arith.constant 0 : i32
    %while3A_226 = arith.subi %select_n3A, %while3A_225 : i32
    %while3A_227 = arith.addi %while3A_225, %while3A_226 : i32
    %while3A_228 = arith.constant 1 : i32
    %while3A_229 = arith.divsi %while3A_226, %while3A_228 : i32
    %while3A_230 = arith.muli %while3A_229, %while3A_228 : i32
    %while3A_231 = arith.addi %while3A_225, %while3A_230 : i32
    %while3A_232 = arith.constant 1 : i32
    scf.for %while3A_242 = %while3A_225 to %while3A_231 step %while3A_232  : i32 {
      %mul3A_243 = arith.constant 3 : i32
      %mul3A_244 = arith.muli %while3A_242, %mul3A_243 : i32
      %mul3A_245 = arith.constant 128 : i32
      %mul3A_246 = arith.muli %mul3A_244, %mul3A_245 : i32
      %add3A_247 = arith.constant 0 : i32
      %add3A_248 = arith.addi %mul3A_246, %add3A_247 : i32
      %dma_start3A = tpu.memref_slice %arg11[%add3A_248] : memref<10624xi32, #tpu.memory_space<vmem>> -> memref<128xi32, #tpu.memory_space<vmem>>
      %dma_start3A_249 = arith.constant 0 : i32
      %dma_start3A_250 = arith.constant 0 : i32
      %dma_start3A_251 = tpu.memref_slice %arg2[%dma_start3A_249, %dma_start3A_250] : memref<10000x144xf32, #tpu.memory_space<hbm>> -> memref<10000x144xf32, #tpu.memory_space<hbm>>
      tpu.enqueue_indirect_dma source(%dma_start3A_251 : memref<10000x144xf32, #tpu.memory_space<hbm>>) target(%arg14 : memref<128x144xf32, #tpu.memory_space<vmem>>) offsets(%dma_start3A : memref<128xi32, #tpu.memory_space<vmem>>) semaphore(%arg18 : memref<!tpu.dma_semaphore, #tpu.memory_space<semaphore_mem>>)
      %add3A_252 = arith.constant 128 : i32
      %add3A_253 = arith.addi %mul3A_246, %add3A_252 : i32
      %dma_start3A_254 = tpu.memref_slice %arg11[%add3A_253] : memref<10624xi32, #tpu.memory_space<vmem>> -> memref<128xi32, #tpu.memory_space<vmem>>
      %dma_start3A_255 = arith.constant 0 : i32
      %dma_start3A_256 = arith.constant 0 : i32
      %dma_start3A_257 = tpu.memref_slice %arg2[%dma_start3A_255, %dma_start3A_256] : memref<10000x144xf32, #tpu.memory_space<hbm>> -> memref<10000x144xf32, #tpu.memory_space<hbm>>
      tpu.enqueue_indirect_dma source(%dma_start3A_257 : memref<10000x144xf32, #tpu.memory_space<hbm>>) target(%arg15 : memref<128x144xf32, #tpu.memory_space<vmem>>) offsets(%dma_start3A_254 : memref<128xi32, #tpu.memory_space<vmem>>) semaphore(%arg19 : memref<!tpu.dma_semaphore, #tpu.memory_space<semaphore_mem>>)
      %add3A_258 = arith.constant 256 : i32
      %add3A_259 = arith.addi %mul3A_246, %add3A_258 : i32
      %dma_start3A_260 = tpu.memref_slice %arg11[%add3A_259] : memref<10624xi32, #tpu.memory_space<vmem>> -> memref<128xi32, #tpu.memory_space<vmem>>
      %dma_start3A_261 = arith.constant 0 : i32
      %dma_start3A_262 = arith.constant 0 : i32
      %dma_start3A_263 = tpu.memref_slice %arg2[%dma_start3A_261, %dma_start3A_262] : memref<10000x144xf32, #tpu.memory_space<hbm>> -> memref<10000x144xf32, #tpu.memory_space<hbm>>
      tpu.enqueue_indirect_dma source(%dma_start3A_263 : memref<10000x144xf32, #tpu.memory_space<hbm>>) target(%arg16 : memref<128x144xf32, #tpu.memory_space<vmem>>) offsets(%dma_start3A_260 : memref<128xi32, #tpu.memory_space<vmem>>) semaphore(%arg20 : memref<!tpu.dma_semaphore, #tpu.memory_space<semaphore_mem>>)
      %dma_wait3A = tpu.memref_slice %arg11[%add3A_248] : memref<10624xi32, #tpu.memory_space<vmem>> -> memref<128xi32, #tpu.memory_space<vmem>>
      %dma_wait3A_264 = arith.constant 0 : i32
      %dma_wait3A_265 = arith.constant 0 : i32
      %dma_wait3A_266 = tpu.memref_slice %arg2[%dma_wait3A_264, %dma_wait3A_265] : memref<10000x144xf32, #tpu.memory_space<hbm>> -> memref<10000x144xf32, #tpu.memory_space<hbm>>
      tpu.wait_indirect_dma semaphore(%arg18 : memref<!tpu.dma_semaphore, #tpu.memory_space<semaphore_mem>>) src(%dma_wait3A_266 : memref<10000x144xf32, #tpu.memory_space<hbm>>) dst(%arg14 : memref<128x144xf32, #tpu.memory_space<vmem>>)
      %add3A_267 = arith.constant 0 : i32
      %add3A_268 = arith.addi %mul3A_246, %add3A_267 : i32
      "tpu.region"() ({
        %run_scoped3A = tpu.sem_alloc : memref<!tpu.dma_semaphore, #tpu.memory_space<semaphore_mem>>
        %dma_start3A_281 = tpu.memref_slice %arg12[%add3A_268] : memref<10624xi32, #tpu.memory_space<vmem>> -> memref<128xi32, #tpu.memory_space<vmem>>
        %dma_start3A_282 = arith.constant 0 : i32
        %dma_start3A_283 = arith.constant 0 : i32
        %dma_start3A_284 = tpu.memref_slice %arg17[%dma_start3A_282, %dma_start3A_283] : memref<2176x144xf32, #tpu.memory_space<vmem_shared>> -> memref<2176x144xf32, #tpu.memory_space<vmem_shared>>
        tpu.enqueue_indirect_dma source(%arg14 : memref<128x144xf32, #tpu.memory_space<vmem>>) target(%dma_start3A_284 : memref<2176x144xf32, #tpu.memory_space<vmem_shared>>) offsets(%dma_start3A_281 : memref<128xi32, #tpu.memory_space<vmem>>) semaphore(%run_scoped3A : memref<!tpu.dma_semaphore, #tpu.memory_space<semaphore_mem>>) {add = true}
        %dma_wait3A_285 = tpu.memref_slice %arg12[%add3A_268] : memref<10624xi32, #tpu.memory_space<vmem>> -> memref<128xi32, #tpu.memory_space<vmem>>
        %dma_wait3A_286 = arith.constant 0 : i32
        %dma_wait3A_287 = arith.constant 0 : i32
        %dma_wait3A_288 = tpu.memref_slice %arg17[%dma_wait3A_286, %dma_wait3A_287] : memref<2176x144xf32, #tpu.memory_space<vmem_shared>> -> memref<2176x144xf32, #tpu.memory_space<vmem_shared>>
        tpu.wait_indirect_dma semaphore(%run_scoped3A : memref<!tpu.dma_semaphore, #tpu.memory_space<semaphore_mem>>) src(%arg14 : memref<128x144xf32, #tpu.memory_space<vmem>>) dst(%dma_wait3A_288 : memref<2176x144xf32, #tpu.memory_space<vmem_shared>>)
        tpu.yield
      }) : () -> ()
      %dma_wait3A_269 = tpu.memref_slice %arg11[%add3A_253] : memref<10624xi32, #tpu.memory_space<vmem>> -> memref<128xi32, #tpu.memory_space<vmem>>
      %dma_wait3A_270 = arith.constant 0 : i32
      %dma_wait3A_271 = arith.constant 0 : i32
      %dma_wait3A_272 = tpu.memref_slice %arg2[%dma_wait3A_270, %dma_wait3A_271] : memref<10000x144xf32, #tpu.memory_space<hbm>> -> memref<10000x144xf32, #tpu.memory_space<hbm>>
      tpu.wait_indirect_dma semaphore(%arg19 : memref<!tpu.dma_semaphore, #tpu.memory_space<semaphore_mem>>) src(%dma_wait3A_272 : memref<10000x144xf32, #tpu.memory_space<hbm>>) dst(%arg15 : memref<128x144xf32, #tpu.memory_space<vmem>>)
      %add3A_273 = arith.constant 128 : i32
      %add3A_274 = arith.addi %mul3A_246, %add3A_273 : i32
      "tpu.region"() ({
        %run_scoped3A = tpu.sem_alloc : memref<!tpu.dma_semaphore, #tpu.memory_space<semaphore_mem>>
        %dma_start3A_281 = tpu.memref_slice %arg12[%add3A_274] : memref<10624xi32, #tpu.memory_space<vmem>> -> memref<128xi32, #tpu.memory_space<vmem>>
        %dma_start3A_282 = arith.constant 0 : i32
        %dma_start3A_283 = arith.constant 0 : i32
        %dma_start3A_284 = tpu.memref_slice %arg17[%dma_start3A_282, %dma_start3A_283] : memref<2176x144xf32, #tpu.memory_space<vmem_shared>> -> memref<2176x144xf32, #tpu.memory_space<vmem_shared>>
        tpu.enqueue_indirect_dma source(%arg15 : memref<128x144xf32, #tpu.memory_space<vmem>>) target(%dma_start3A_284 : memref<2176x144xf32, #tpu.memory_space<vmem_shared>>) offsets(%dma_start3A_281 : memref<128xi32, #tpu.memory_space<vmem>>) semaphore(%run_scoped3A : memref<!tpu.dma_semaphore, #tpu.memory_space<semaphore_mem>>) {add = true}
        %dma_wait3A_285 = tpu.memref_slice %arg12[%add3A_274] : memref<10624xi32, #tpu.memory_space<vmem>> -> memref<128xi32, #tpu.memory_space<vmem>>
        %dma_wait3A_286 = arith.constant 0 : i32
        %dma_wait3A_287 = arith.constant 0 : i32
        %dma_wait3A_288 = tpu.memref_slice %arg17[%dma_wait3A_286, %dma_wait3A_287] : memref<2176x144xf32, #tpu.memory_space<vmem_shared>> -> memref<2176x144xf32, #tpu.memory_space<vmem_shared>>
        tpu.wait_indirect_dma semaphore(%run_scoped3A : memref<!tpu.dma_semaphore, #tpu.memory_space<semaphore_mem>>) src(%arg15 : memref<128x144xf32, #tpu.memory_space<vmem>>) dst(%dma_wait3A_288 : memref<2176x144xf32, #tpu.memory_space<vmem_shared>>)
        tpu.yield
      }) : () -> ()
      %dma_wait3A_275 = tpu.memref_slice %arg11[%add3A_259] : memref<10624xi32, #tpu.memory_space<vmem>> -> memref<128xi32, #tpu.memory_space<vmem>>
      %dma_wait3A_276 = arith.constant 0 : i32
      %dma_wait3A_277 = arith.constant 0 : i32
      %dma_wait3A_278 = tpu.memref_slice %arg2[%dma_wait3A_276, %dma_wait3A_277] : memref<10000x144xf32, #tpu.memory_space<hbm>> -> memref<10000x144xf32, #tpu.memory_space<hbm>>
      tpu.wait_indirect_dma semaphore(%arg20 : memref<!tpu.dma_semaphore, #tpu.memory_space<semaphore_mem>>) src(%dma_wait3A_278 : memref<10000x144xf32, #tpu.memory_space<hbm>>) dst(%arg16 : memref<128x144xf32, #tpu.memory_space<vmem>>)
      %add3A_279 = arith.constant 256 : i32
      %add3A_280 = arith.addi %mul3A_246, %add3A_279 : i32
      "tpu.region"() ({
        %run_scoped3A = tpu.sem_alloc : memref<!tpu.dma_semaphore, #tpu.memory_space<semaphore_mem>>
        %dma_start3A_281 = tpu.memref_slice %arg12[%add3A_280] : memref<10624xi32, #tpu.memory_space<vmem>> -> memref<128xi32, #tpu.memory_space<vmem>>
        %dma_start3A_282 = arith.constant 0 : i32
        %dma_start3A_283 = arith.constant 0 : i32
        %dma_start3A_284 = tpu.memref_slice %arg17[%dma_start3A_282, %dma_start3A_283] : memref<2176x144xf32, #tpu.memory_space<vmem_shared>> -> memref<2176x144xf32, #tpu.memory_space<vmem_shared>>
        tpu.enqueue_indirect_dma source(%arg16 : memref<128x144xf32, #tpu.memory_space<vmem>>) target(%dma_start3A_284 : memref<2176x144xf32, #tpu.memory_space<vmem_shared>>) offsets(%dma_start3A_281 : memref<128xi32, #tpu.memory_space<vmem>>) semaphore(%run_scoped3A : memref<!tpu.dma_semaphore, #tpu.memory_space<semaphore_mem>>) {add = true}
        %dma_wait3A_285 = tpu.memref_slice %arg12[%add3A_280] : memref<10624xi32, #tpu.memory_space<vmem>> -> memref<128xi32, #tpu.memory_space<vmem>>
        %dma_wait3A_286 = arith.constant 0 : i32
        %dma_wait3A_287 = arith.constant 0 : i32
        %dma_wait3A_288 = tpu.memref_slice %arg17[%dma_wait3A_286, %dma_wait3A_287] : memref<2176x144xf32, #tpu.memory_space<vmem_shared>> -> memref<2176x144xf32, #tpu.memory_space<vmem_shared>>
        tpu.wait_indirect_dma semaphore(%run_scoped3A : memref<!tpu.dma_semaphore, #tpu.memory_space<semaphore_mem>>) src(%arg16 : memref<128x144xf32, #tpu.memory_space<vmem>>) dst(%dma_wait3A_288 : memref<2176x144xf32, #tpu.memory_space<vmem_shared>>)
        tpu.yield
      }) : () -> ()
    }
    %while3A_233 = arith.constant 1 : i32
    scf.for %while3A_242 = %while3A_231 to %while3A_227 step %while3A_233  : i32 {
      %mul3A_243 = arith.constant 3 : i32
      %mul3A_244 = arith.muli %while3A_242, %mul3A_243 : i32
      %mul3A_245 = arith.constant 128 : i32
      %mul3A_246 = arith.muli %mul3A_244, %mul3A_245 : i32
      %add3A_247 = arith.constant 0 : i32
      %add3A_248 = arith.addi %mul3A_246, %add3A_247 : i32
      %dma_start3A = tpu.memref_slice %arg11[%add3A_248] : memref<10624xi32, #tpu.memory_space<vmem>> -> memref<128xi32, #tpu.memory_space<vmem>>
      %dma_start3A_249 = arith.constant 0 : i32
      %dma_start3A_250 = arith.constant 0 : i32
      %dma_start3A_251 = tpu.memref_slice %arg2[%dma_start3A_249, %dma_start3A_250] : memref<10000x144xf32, #tpu.memory_space<hbm>> -> memref<10000x144xf32, #tpu.memory_space<hbm>>
      tpu.enqueue_indirect_dma source(%dma_start3A_251 : memref<10000x144xf32, #tpu.memory_space<hbm>>) target(%arg14 : memref<128x144xf32, #tpu.memory_space<vmem>>) offsets(%dma_start3A : memref<128xi32, #tpu.memory_space<vmem>>) semaphore(%arg18 : memref<!tpu.dma_semaphore, #tpu.memory_space<semaphore_mem>>)
      %add3A_252 = arith.constant 128 : i32
      %add3A_253 = arith.addi %mul3A_246, %add3A_252 : i32
      %dma_start3A_254 = tpu.memref_slice %arg11[%add3A_253] : memref<10624xi32, #tpu.memory_space<vmem>> -> memref<128xi32, #tpu.memory_space<vmem>>
      %dma_start3A_255 = arith.constant 0 : i32
      %dma_start3A_256 = arith.constant 0 : i32
      %dma_start3A_257 = tpu.memref_slice %arg2[%dma_start3A_255, %dma_start3A_256] : memref<10000x144xf32, #tpu.memory_space<hbm>> -> memref<10000x144xf32, #tpu.memory_space<hbm>>
      tpu.enqueue_indirect_dma source(%dma_start3A_257 : memref<10000x144xf32, #tpu.memory_space<hbm>>) target(%arg15 : memref<128x144xf32, #tpu.memory_space<vmem>>) offsets(%dma_start3A_254 : memref<128xi32, #tpu.memory_space<vmem>>) semaphore(%arg19 : memref<!tpu.dma_semaphore, #tpu.memory_space<semaphore_mem>>)
      %add3A_258 = arith.constant 256 : i32
      %add3A_259 = arith.addi %mul3A_246, %add3A_258 : i32
      %dma_start3A_260 = tpu.memref_slice %arg11[%add3A_259] : memref<10624xi32, #tpu.memory_space<vmem>> -> memref<128xi32, #tpu.memory_space<vmem>>
      %dma_start3A_261 = arith.constant 0 : i32
      %dma_start3A_262 = arith.constant 0 : i32
      %dma_start3A_263 = tpu.memref_slice %arg2[%dma_start3A_261, %dma_start3A_262] : memref<10000x144xf32, #tpu.memory_space<hbm>> -> memref<10000x144xf32, #tpu.memory_space<hbm>>
      tpu.enqueue_indirect_dma source(%dma_start3A_263 : memref<10000x144xf32, #tpu.memory_space<hbm>>) target(%arg16 : memref<128x144xf32, #tpu.memory_space<vmem>>) offsets(%dma_start3A_260 : memref<128xi32, #tpu.memory_space<vmem>>) semaphore(%arg20 : memref<!tpu.dma_semaphore, #tpu.memory_space<semaphore_mem>>)
      %dma_wait3A = tpu.memref_slice %arg11[%add3A_248] : memref<10624xi32, #tpu.memory_space<vmem>> -> memref<128xi32, #tpu.memory_space<vmem>>
      %dma_wait3A_264 = arith.constant 0 : i32
      %dma_wait3A_265 = arith.constant 0 : i32
      %dma_wait3A_266 = tpu.memref_slice %arg2[%dma_wait3A_264, %dma_wait3A_265] : memref<10000x144xf32, #tpu.memory_space<hbm>> -> memref<10000x144xf32, #tpu.memory_space<hbm>>
      tpu.wait_indirect_dma semaphore(%arg18 : memref<!tpu.dma_semaphore, #tpu.memory_space<semaphore_mem>>) src(%dma_wait3A_266 : memref<10000x144xf32, #tpu.memory_space<hbm>>) dst(%arg14 : memref<128x144xf32, #tpu.memory_space<vmem>>)
      %add3A_267 = arith.constant 0 : i32
      %add3A_268 = arith.addi %mul3A_246, %add3A_267 : i32
      "tpu.region"() ({
        %run_scoped3A = tpu.sem_alloc : memref<!tpu.dma_semaphore, #tpu.memory_space<semaphore_mem>>
        %dma_start3A_281 = tpu.memref_slice %arg12[%add3A_268] : memref<10624xi32, #tpu.memory_space<vmem>> -> memref<128xi32, #tpu.memory_space<vmem>>
        %dma_start3A_282 = arith.constant 0 : i32
        %dma_start3A_283 = arith.constant 0 : i32
        %dma_start3A_284 = tpu.memref_slice %arg17[%dma_start3A_282, %dma_start3A_283] : memref<2176x144xf32, #tpu.memory_space<vmem_shared>> -> memref<2176x144xf32, #tpu.memory_space<vmem_shared>>
        tpu.enqueue_indirect_dma source(%arg14 : memref<128x144xf32, #tpu.memory_space<vmem>>) target(%dma_start3A_284 : memref<2176x144xf32, #tpu.memory_space<vmem_shared>>) offsets(%dma_start3A_281 : memref<128xi32, #tpu.memory_space<vmem>>) semaphore(%run_scoped3A : memref<!tpu.dma_semaphore, #tpu.memory_space<semaphore_mem>>) {add = true}
        %dma_wait3A_285 = tpu.memref_slice %arg12[%add3A_268] : memref<10624xi32, #tpu.memory_space<vmem>> -> memref<128xi32, #tpu.memory_space<vmem>>
        %dma_wait3A_286 = arith.constant 0 : i32
        %dma_wait3A_287 = arith.constant 0 : i32
        %dma_wait3A_288 = tpu.memref_slice %arg17[%dma_wait3A_286, %dma_wait3A_287] : memref<2176x144xf32, #tpu.memory_space<vmem_shared>> -> memref<2176x144xf32, #tpu.memory_space<vmem_shared>>
        tpu.wait_indirect_dma semaphore(%run_scoped3A : memref<!tpu.dma_semaphore, #tpu.memory_space<semaphore_mem>>) src(%arg14 : memref<128x144xf32, #tpu.memory_space<vmem>>) dst(%dma_wait3A_288 : memref<2176x144xf32, #tpu.memory_space<vmem_shared>>)
        tpu.yield
      }) : () -> ()
      %dma_wait3A_269 = tpu.memref_slice %arg11[%add3A_253] : memref<10624xi32, #tpu.memory_space<vmem>> -> memref<128xi32, #tpu.memory_space<vmem>>
      %dma_wait3A_270 = arith.constant 0 : i32
      %dma_wait3A_271 = arith.constant 0 : i32
      %dma_wait3A_272 = tpu.memref_slice %arg2[%dma_wait3A_270, %dma_wait3A_271] : memref<10000x144xf32, #tpu.memory_space<hbm>> -> memref<10000x144xf32, #tpu.memory_space<hbm>>
      tpu.wait_indirect_dma semaphore(%arg19 : memref<!tpu.dma_semaphore, #tpu.memory_space<semaphore_mem>>) src(%dma_wait3A_272 : memref<10000x144xf32, #tpu.memory_space<hbm>>) dst(%arg15 : memref<128x144xf32, #tpu.memory_space<vmem>>)
      %add3A_273 = arith.constant 128 : i32
      %add3A_274 = arith.addi %mul3A_246, %add3A_273 : i32
      "tpu.region"() ({
        %run_scoped3A = tpu.sem_alloc : memref<!tpu.dma_semaphore, #tpu.memory_space<semaphore_mem>>
        %dma_start3A_281 = tpu.memref_slice %arg12[%add3A_274] : memref<10624xi32, #tpu.memory_space<vmem>> -> memref<128xi32, #tpu.memory_space<vmem>>
        %dma_start3A_282 = arith.constant 0 : i32
        %dma_start3A_283 = arith.constant 0 : i32
        %dma_start3A_284 = tpu.memref_slice %arg17[%dma_start3A_282, %dma_start3A_283] : memref<2176x144xf32, #tpu.memory_space<vmem_shared>> -> memref<2176x144xf32, #tpu.memory_space<vmem_shared>>
        tpu.enqueue_indirect_dma source(%arg15 : memref<128x144xf32, #tpu.memory_space<vmem>>) target(%dma_start3A_284 : memref<2176x144xf32, #tpu.memory_space<vmem_shared>>) offsets(%dma_start3A_281 : memref<128xi32, #tpu.memory_space<vmem>>) semaphore(%run_scoped3A : memref<!tpu.dma_semaphore, #tpu.memory_space<semaphore_mem>>) {add = true}
        %dma_wait3A_285 = tpu.memref_slice %arg12[%add3A_274] : memref<10624xi32, #tpu.memory_space<vmem>> -> memref<128xi32, #tpu.memory_space<vmem>>
        %dma_wait3A_286 = arith.constant 0 : i32
        %dma_wait3A_287 = arith.constant 0 : i32
        %dma_wait3A_288 = tpu.memref_slice %arg17[%dma_wait3A_286, %dma_wait3A_287] : memref<2176x144xf32, #tpu.memory_space<vmem_shared>> -> memref<2176x144xf32, #tpu.memory_space<vmem_shared>>
        tpu.wait_indirect_dma semaphore(%run_scoped3A : memref<!tpu.dma_semaphore, #tpu.memory_space<semaphore_mem>>) src(%arg15 : memref<128x144xf32, #tpu.memory_space<vmem>>) dst(%dma_wait3A_288 : memref<2176x144xf32, #tpu.memory_space<vmem_shared>>)
        tpu.yield
      }) : () -> ()
      %dma_wait3A_275 = tpu.memref_slice %arg11[%add3A_259] : memref<10624xi32, #tpu.memory_space<vmem>> -> memref<128xi32, #tpu.memory_space<vmem>>
      %dma_wait3A_276 = arith.constant 0 : i32
      %dma_wait3A_277 = arith.constant 0 : i32
      %dma_wait3A_278 = tpu.memref_slice %arg2[%dma_wait3A_276, %dma_wait3A_277] : memref<10000x144xf32, #tpu.memory_space<hbm>> -> memref<10000x144xf32, #tpu.memory_space<hbm>>
      tpu.wait_indirect_dma semaphore(%arg20 : memref<!tpu.dma_semaphore, #tpu.memory_space<semaphore_mem>>) src(%dma_wait3A_278 : memref<10000x144xf32, #tpu.memory_space<hbm>>) dst(%arg16 : memref<128x144xf32, #tpu.memory_space<vmem>>)
      %add3A_279 = arith.constant 256 : i32
      %add3A_280 = arith.addi %mul3A_246, %add3A_279 : i32
      "tpu.region"() ({
        %run_scoped3A = tpu.sem_alloc : memref<!tpu.dma_semaphore, #tpu.memory_space<semaphore_mem>>
        %dma_start3A_281 = tpu.memref_slice %arg12[%add3A_280] : memref<10624xi32, #tpu.memory_space<vmem>> -> memref<128xi32, #tpu.memory_space<vmem>>
        %dma_start3A_282 = arith.constant 0 : i32
        %dma_start3A_283 = arith.constant 0 : i32
        %dma_start3A_284 = tpu.memref_slice %arg17[%dma_start3A_282, %dma_start3A_283] : memref<2176x144xf32, #tpu.memory_space<vmem_shared>> -> memref<2176x144xf32, #tpu.memory_space<vmem_shared>>
        tpu.enqueue_indirect_dma source(%arg16 : memref<128x144xf32, #tpu.memory_space<vmem>>) target(%dma_start3A_284 : memref<2176x144xf32, #tpu.memory_space<vmem_shared>>) offsets(%dma_start3A_281 : memref<128xi32, #tpu.memory_space<vmem>>) semaphore(%run_scoped3A : memref<!tpu.dma_semaphore, #tpu.memory_space<semaphore_mem>>) {add = true}
        %dma_wait3A_285 = tpu.memref_slice %arg12[%add3A_280] : memref<10624xi32, #tpu.memory_space<vmem>> -> memref<128xi32, #tpu.memory_space<vmem>>
        %dma_wait3A_286 = arith.constant 0 : i32
        %dma_wait3A_287 = arith.constant 0 : i32
        %dma_wait3A_288 = tpu.memref_slice %arg17[%dma_wait3A_286, %dma_wait3A_287] : memref<2176x144xf32, #tpu.memory_space<vmem_shared>> -> memref<2176x144xf32, #tpu.memory_space<vmem_shared>>
        tpu.wait_indirect_dma semaphore(%run_scoped3A : memref<!tpu.dma_semaphore, #tpu.memory_space<semaphore_mem>>) src(%arg16 : memref<128x144xf32, #tpu.memory_space<vmem>>) dst(%dma_wait3A_288 : memref<2176x144xf32, #tpu.memory_space<vmem_shared>>)
        tpu.yield
      }) : () -> ()
    }
    %barrier3A_234 = arith.constant 0 : index
    tpu.barrier barrier_id(%barrier3A_234)
    %eq3A = arith.constant 0 : i32
    %eq3A_235 = arith.cmpi eq, %arg0, %eq3A : i32
    %convert_element_type3A = arith.extui %eq3A_235 : i1 to i32
    %cond3A = arith.constant 0 : i32
    %cond3A_236 = arith.cmpi ne, %convert_element_type3A, %cond3A : i32
    scf.if %cond3A_236 {
      %mul3A_242 = arith.constant 136 : i32
      %mul3A_243 = arith.muli %arg1, %mul3A_242 : i32
      %mul3A_244 = arith.constant 136 : i32
      %mul3A_245 = arith.muli %arg1, %mul3A_244 : i32
      "tpu.region"() ({
        %run_scoped3A = tpu.sem_alloc : memref<!tpu.dma_semaphore, #tpu.memory_space<semaphore_mem>>
        %dma_start3A = arith.constant 0 : i32
        %dma_start3A_246 = tpu.memref_slice %arg7[%mul3A_245, %dma_start3A] : memref<2176x144xf32, #tpu.memory_space<hbm>> -> memref<136x144xf32, #tpu.memory_space<hbm>>
        %dma_start3A_247 = arith.constant 0 : i32
        %dma_start3A_248 = tpu.memref_slice %arg17[%mul3A_243, %dma_start3A_247] : memref<2176x144xf32, #tpu.memory_space<vmem_shared>> -> memref<136x144xf32, #tpu.memory_space<vmem_shared>>
        tpu.enqueue_dma source(%dma_start3A_248 : memref<136x144xf32, #tpu.memory_space<vmem_shared>>) target(%dma_start3A_246 : memref<136x144xf32, #tpu.memory_space<hbm>>) target_semaphore(%run_scoped3A : memref<!tpu.dma_semaphore, #tpu.memory_space<semaphore_mem>>)
        %dma_wait3A = arith.constant 0 : i32
        %dma_wait3A_249 = tpu.memref_slice %arg7[%mul3A_245, %dma_wait3A] : memref<2176x144xf32, #tpu.memory_space<hbm>> -> memref<136x144xf32, #tpu.memory_space<hbm>>
        %dma_wait3A_250 = arith.constant 0 : i32
        %dma_wait3A_251 = tpu.memref_slice %arg17[%mul3A_243, %dma_wait3A_250] : memref<2176x144xf32, #tpu.memory_space<vmem_shared>> -> memref<136x144xf32, #tpu.memory_space<vmem_shared>>
        tpu.wait_dma2 semaphore(%run_scoped3A : memref<!tpu.dma_semaphore, #tpu.memory_space<semaphore_mem>>) src(%dma_wait3A_251 : memref<136x144xf32, #tpu.memory_space<vmem_shared>>) dst(%dma_wait3A_249 : memref<136x144xf32, #tpu.memory_space<hbm>>)
        tpu.yield
      }) : () -> ()
    } else {
    }
    %eq3A_237 = arith.constant 1 : i32
    %eq3A_238 = arith.cmpi eq, %arg0, %eq3A_237 : i32
    %convert_element_type3A_239 = arith.extui %eq3A_238 : i1 to i32
    %cond3A_240 = arith.constant 0 : i32
    %cond3A_241 = arith.cmpi ne, %convert_element_type3A_239, %cond3A_240 : i32
    scf.if %cond3A_241 {
      %mul3A_242 = arith.constant 136 : i32
      %mul3A_243 = arith.muli %arg1, %mul3A_242 : i32
      %mul3A_244 = arith.constant 136 : i32
      %mul3A_245 = arith.muli %arg1, %mul3A_244 : i32
      "tpu.region"() ({
        %run_scoped3A = tpu.sem_alloc : memref<!tpu.dma_semaphore, #tpu.memory_space<semaphore_mem>>
        %dma_start3A = arith.constant 0 : i32
        %dma_start3A_246 = tpu.memref_slice %arg8[%mul3A_245, %dma_start3A] : memref<2176x144xf32, #tpu.memory_space<hbm>> -> memref<136x144xf32, #tpu.memory_space<hbm>>
        %dma_start3A_247 = arith.constant 0 : i32
        %dma_start3A_248 = tpu.memref_slice %arg17[%mul3A_243, %dma_start3A_247] : memref<2176x144xf32, #tpu.memory_space<vmem_shared>> -> memref<136x144xf32, #tpu.memory_space<vmem_shared>>
        tpu.enqueue_dma source(%dma_start3A_248 : memref<136x144xf32, #tpu.memory_space<vmem_shared>>) target(%dma_start3A_246 : memref<136x144xf32, #tpu.memory_space<hbm>>) target_semaphore(%run_scoped3A : memref<!tpu.dma_semaphore, #tpu.memory_space<semaphore_mem>>)
        %dma_wait3A = arith.constant 0 : i32
        %dma_wait3A_249 = tpu.memref_slice %arg8[%mul3A_245, %dma_wait3A] : memref<2176x144xf32, #tpu.memory_space<hbm>> -> memref<136x144xf32, #tpu.memory_space<hbm>>
        %dma_wait3A_250 = arith.constant 0 : i32
        %dma_wait3A_251 = tpu.memref_slice %arg17[%mul3A_243, %dma_wait3A_250] : memref<2176x144xf32, #tpu.memory_space<vmem_shared>> -> memref<136x144xf32, #tpu.memory_space<vmem_shared>>
        tpu.wait_dma2 semaphore(%run_scoped3A : memref<!tpu.dma_semaphore, #tpu.memory_space<semaphore_mem>>) src(%dma_wait3A_251 : memref<136x144xf32, #tpu.memory_space<vmem_shared>>) dst(%dma_wait3A_249 : memref<136x144xf32, #tpu.memory_space<hbm>>)
        tpu.yield
      }) : () -> ()
    } else {
    }
    return
  }
}

#map = affine_map<(d0, d1) -> (0, 0)>
module attributes {stable_mosaic.version = 14 : i64} {
  func.func @_row_gather(%arg0: i32, %arg1: i32, %arg2: memref<10000x144xf32, #tpu.memory_space<hbm>>, %arg3: memref<2176x144xf32, #tpu.memory_space<hbm>>, %arg4: memref<2176x144xf32, #tpu.memory_space<hbm>>, %arg5: memref<32x64xi32, #tpu.memory_space<hbm>>, %arg6: memref<32x64xi32, #tpu.memory_space<hbm>>, %arg7: memref<2048x144xf32, #tpu.memory_space<hbm>>, %arg8: memref<2048x144xf32, #tpu.memory_space<hbm>>, %arg9: memref<2048x144xf32, #tpu.memory_space<hbm>>, %arg10: memref<64xi32, #tpu.memory_space<vmem>>, %arg11: memref<64xi32, #tpu.memory_space<vmem>>, %arg12: memref<64x144xf32, #tpu.memory_space<vmem>>, %arg13: memref<64x144xf32, #tpu.memory_space<vmem>>, %arg14: memref<64x144xf32, #tpu.memory_space<vmem>>, %arg15: memref<!tpu.dma_semaphore, #tpu.memory_space<semaphore_mem>>, %arg16: memref<!tpu.dma_semaphore, #tpu.memory_space<semaphore_mem>>, %arg17: memref<!tpu.dma_semaphore, #tpu.memory_space<semaphore_mem>>) attributes {dimension_semantics = [#tpu.dimension_semantics<core_parallel>, #tpu.dimension_semantics<subcore_parallel>], iteration_bounds = array<i64: 2, 16>, scalar_prefetch = 0 : i64, scratch_operands = 8 : i64, tpu.core_type = #tpu.core_type<sc_vector_subcore>, window_params = [{transform_indices = #map}, {transform_indices = #map}, {transform_indices = #map}, {transform_indices = #map}, {transform_indices = #map}, {transform_indices = #map}, {transform_indices = #map}, {transform_indices = #map}]} {
    %mul3A = arith.constant 2 : i32
    %mul3A_0 = arith.muli %arg1, %mul3A : i32
    %add3A = arith.addi %mul3A_0, %arg0 : i32
    "tpu.region"() ({
      %run_scoped3A = tpu.sem_alloc : memref<!tpu.dma_semaphore, #tpu.memory_space<semaphore_mem>>
      %dma_start3A_23 = arith.constant 0 : i32
      %dma_start3A_24 = tpu.memref_slice %arg5[%add3A, %dma_start3A_23] : memref<32x64xi32, #tpu.memory_space<hbm>> -> memref<1x64xi32, #tpu.memory_space<hbm>>
      %dma_start3A_25 = tpu.memref_squeeze %dma_start3A_24 : memref<1x64xi32, #tpu.memory_space<hbm>> -> memref<64xi32, #tpu.memory_space<hbm>>
      %dma_start3A_26 = arith.constant 0 : i32
      %dma_start3A_27 = tpu.memref_slice %arg5[%add3A, %dma_start3A_26] : memref<32x64xi32, #tpu.memory_space<hbm>> -> memref<1x64xi32, #tpu.memory_space<hbm>>
      %dma_start3A_28 = tpu.memref_squeeze %dma_start3A_27 : memref<1x64xi32, #tpu.memory_space<hbm>> -> memref<64xi32, #tpu.memory_space<hbm>>
      tpu.enqueue_dma source(%dma_start3A_28 : memref<64xi32, #tpu.memory_space<hbm>>) target(%arg10 : memref<64xi32, #tpu.memory_space<vmem>>) target_semaphore(%run_scoped3A : memref<!tpu.dma_semaphore, #tpu.memory_space<semaphore_mem>>)
      %dma_wait3A_29 = arith.constant 0 : i32
      %dma_wait3A_30 = tpu.memref_slice %arg5[%add3A, %dma_wait3A_29] : memref<32x64xi32, #tpu.memory_space<hbm>> -> memref<1x64xi32, #tpu.memory_space<hbm>>
      %dma_wait3A_31 = tpu.memref_squeeze %dma_wait3A_30 : memref<1x64xi32, #tpu.memory_space<hbm>> -> memref<64xi32, #tpu.memory_space<hbm>>
      %dma_wait3A_32 = arith.constant 0 : i32
      %dma_wait3A_33 = tpu.memref_slice %arg5[%add3A, %dma_wait3A_32] : memref<32x64xi32, #tpu.memory_space<hbm>> -> memref<1x64xi32, #tpu.memory_space<hbm>>
      %dma_wait3A_34 = tpu.memref_squeeze %dma_wait3A_33 : memref<1x64xi32, #tpu.memory_space<hbm>> -> memref<64xi32, #tpu.memory_space<hbm>>
      tpu.wait_dma2 semaphore(%run_scoped3A : memref<!tpu.dma_semaphore, #tpu.memory_space<semaphore_mem>>) src(%dma_wait3A_34 : memref<64xi32, #tpu.memory_space<hbm>>) dst(%arg10 : memref<64xi32, #tpu.memory_space<vmem>>)
      tpu.yield
    }) : () -> ()
    "tpu.region"() ({
      %run_scoped3A = tpu.sem_alloc : memref<!tpu.dma_semaphore, #tpu.memory_space<semaphore_mem>>
      %dma_start3A_23 = arith.constant 0 : i32
      %dma_start3A_24 = tpu.memref_slice %arg6[%add3A, %dma_start3A_23] : memref<32x64xi32, #tpu.memory_space<hbm>> -> memref<1x64xi32, #tpu.memory_space<hbm>>
      %dma_start3A_25 = tpu.memref_squeeze %dma_start3A_24 : memref<1x64xi32, #tpu.memory_space<hbm>> -> memref<64xi32, #tpu.memory_space<hbm>>
      %dma_start3A_26 = arith.constant 0 : i32
      %dma_start3A_27 = tpu.memref_slice %arg6[%add3A, %dma_start3A_26] : memref<32x64xi32, #tpu.memory_space<hbm>> -> memref<1x64xi32, #tpu.memory_space<hbm>>
      %dma_start3A_28 = tpu.memref_squeeze %dma_start3A_27 : memref<1x64xi32, #tpu.memory_space<hbm>> -> memref<64xi32, #tpu.memory_space<hbm>>
      tpu.enqueue_dma source(%dma_start3A_28 : memref<64xi32, #tpu.memory_space<hbm>>) target(%arg11 : memref<64xi32, #tpu.memory_space<vmem>>) target_semaphore(%run_scoped3A : memref<!tpu.dma_semaphore, #tpu.memory_space<semaphore_mem>>)
      %dma_wait3A_29 = arith.constant 0 : i32
      %dma_wait3A_30 = tpu.memref_slice %arg6[%add3A, %dma_wait3A_29] : memref<32x64xi32, #tpu.memory_space<hbm>> -> memref<1x64xi32, #tpu.memory_space<hbm>>
      %dma_wait3A_31 = tpu.memref_squeeze %dma_wait3A_30 : memref<1x64xi32, #tpu.memory_space<hbm>> -> memref<64xi32, #tpu.memory_space<hbm>>
      %dma_wait3A_32 = arith.constant 0 : i32
      %dma_wait3A_33 = tpu.memref_slice %arg6[%add3A, %dma_wait3A_32] : memref<32x64xi32, #tpu.memory_space<hbm>> -> memref<1x64xi32, #tpu.memory_space<hbm>>
      %dma_wait3A_34 = tpu.memref_squeeze %dma_wait3A_33 : memref<1x64xi32, #tpu.memory_space<hbm>> -> memref<64xi32, #tpu.memory_space<hbm>>
      tpu.wait_dma2 semaphore(%run_scoped3A : memref<!tpu.dma_semaphore, #tpu.memory_space<semaphore_mem>>) src(%dma_wait3A_34 : memref<64xi32, #tpu.memory_space<hbm>>) dst(%arg11 : memref<64xi32, #tpu.memory_space<vmem>>)
      tpu.yield
    }) : () -> ()
    %dma_start3A = arith.constant 0 : i32
    %dma_start3A_1 = arith.constant 0 : i32
    %dma_start3A_2 = tpu.memref_slice %arg2[%dma_start3A, %dma_start3A_1] : memref<10000x144xf32, #tpu.memory_space<hbm>> -> memref<10000x144xf32, #tpu.memory_space<hbm>>
    tpu.enqueue_indirect_dma source(%dma_start3A_2 : memref<10000x144xf32, #tpu.memory_space<hbm>>) target(%arg12 : memref<64x144xf32, #tpu.memory_space<vmem>>) offsets(%arg10 : memref<64xi32, #tpu.memory_space<vmem>>) semaphore(%arg15 : memref<!tpu.dma_semaphore, #tpu.memory_space<semaphore_mem>>)
    %dma_start3A_3 = arith.constant 0 : i32
    %dma_start3A_4 = arith.constant 0 : i32
    %dma_start3A_5 = tpu.memref_slice %arg3[%dma_start3A_3, %dma_start3A_4] : memref<2176x144xf32, #tpu.memory_space<hbm>> -> memref<2176x144xf32, #tpu.memory_space<hbm>>
    tpu.enqueue_indirect_dma source(%dma_start3A_5 : memref<2176x144xf32, #tpu.memory_space<hbm>>) target(%arg13 : memref<64x144xf32, #tpu.memory_space<vmem>>) offsets(%arg11 : memref<64xi32, #tpu.memory_space<vmem>>) semaphore(%arg16 : memref<!tpu.dma_semaphore, #tpu.memory_space<semaphore_mem>>)
    %dma_start3A_6 = arith.constant 0 : i32
    %dma_start3A_7 = arith.constant 0 : i32
    %dma_start3A_8 = tpu.memref_slice %arg4[%dma_start3A_6, %dma_start3A_7] : memref<2176x144xf32, #tpu.memory_space<hbm>> -> memref<2176x144xf32, #tpu.memory_space<hbm>>
    tpu.enqueue_indirect_dma source(%dma_start3A_8 : memref<2176x144xf32, #tpu.memory_space<hbm>>) target(%arg14 : memref<64x144xf32, #tpu.memory_space<vmem>>) offsets(%arg11 : memref<64xi32, #tpu.memory_space<vmem>>) semaphore(%arg17 : memref<!tpu.dma_semaphore, #tpu.memory_space<semaphore_mem>>)
    %dma_wait3A = arith.constant 0 : i32
    %dma_wait3A_9 = arith.constant 0 : i32
    %dma_wait3A_10 = tpu.memref_slice %arg2[%dma_wait3A, %dma_wait3A_9] : memref<10000x144xf32, #tpu.memory_space<hbm>> -> memref<10000x144xf32, #tpu.memory_space<hbm>>
    tpu.wait_indirect_dma semaphore(%arg15 : memref<!tpu.dma_semaphore, #tpu.memory_space<semaphore_mem>>) src(%dma_wait3A_10 : memref<10000x144xf32, #tpu.memory_space<hbm>>) dst(%arg12 : memref<64x144xf32, #tpu.memory_space<vmem>>)
    %mul3A_11 = arith.constant 64 : i32
    %mul3A_12 = arith.muli %add3A, %mul3A_11 : i32
    "tpu.region"() ({
      %run_scoped3A = tpu.sem_alloc : memref<!tpu.dma_semaphore, #tpu.memory_space<semaphore_mem>>
      %dma_start3A_23 = arith.constant 0 : i32
      %dma_start3A_24 = tpu.memref_slice %arg7[%mul3A_12, %dma_start3A_23] : memref<2048x144xf32, #tpu.memory_space<hbm>> -> memref<64x144xf32, #tpu.memory_space<hbm>>
      %dma_start3A_25 = arith.constant 0 : i32
      %dma_start3A_26 = tpu.memref_slice %arg7[%mul3A_12, %dma_start3A_25] : memref<2048x144xf32, #tpu.memory_space<hbm>> -> memref<64x144xf32, #tpu.memory_space<hbm>>
      tpu.enqueue_dma source(%arg12 : memref<64x144xf32, #tpu.memory_space<vmem>>) target(%dma_start3A_26 : memref<64x144xf32, #tpu.memory_space<hbm>>) target_semaphore(%run_scoped3A : memref<!tpu.dma_semaphore, #tpu.memory_space<semaphore_mem>>)
      %dma_wait3A_27 = arith.constant 0 : i32
      %dma_wait3A_28 = tpu.memref_slice %arg7[%mul3A_12, %dma_wait3A_27] : memref<2048x144xf32, #tpu.memory_space<hbm>> -> memref<64x144xf32, #tpu.memory_space<hbm>>
      %dma_wait3A_29 = arith.constant 0 : i32
      %dma_wait3A_30 = tpu.memref_slice %arg7[%mul3A_12, %dma_wait3A_29] : memref<2048x144xf32, #tpu.memory_space<hbm>> -> memref<64x144xf32, #tpu.memory_space<hbm>>
      tpu.wait_dma2 semaphore(%run_scoped3A : memref<!tpu.dma_semaphore, #tpu.memory_space<semaphore_mem>>) src(%arg12 : memref<64x144xf32, #tpu.memory_space<vmem>>) dst(%dma_wait3A_30 : memref<64x144xf32, #tpu.memory_space<hbm>>)
      tpu.yield
    }) : () -> ()
    %dma_wait3A_13 = arith.constant 0 : i32
    %dma_wait3A_14 = arith.constant 0 : i32
    %dma_wait3A_15 = tpu.memref_slice %arg3[%dma_wait3A_13, %dma_wait3A_14] : memref<2176x144xf32, #tpu.memory_space<hbm>> -> memref<2176x144xf32, #tpu.memory_space<hbm>>
    tpu.wait_indirect_dma semaphore(%arg16 : memref<!tpu.dma_semaphore, #tpu.memory_space<semaphore_mem>>) src(%dma_wait3A_15 : memref<2176x144xf32, #tpu.memory_space<hbm>>) dst(%arg13 : memref<64x144xf32, #tpu.memory_space<vmem>>)
    %mul3A_16 = arith.constant 64 : i32
    %mul3A_17 = arith.muli %add3A, %mul3A_16 : i32
    "tpu.region"() ({
      %run_scoped3A = tpu.sem_alloc : memref<!tpu.dma_semaphore, #tpu.memory_space<semaphore_mem>>
      %dma_start3A_23 = arith.constant 0 : i32
      %dma_start3A_24 = tpu.memref_slice %arg8[%mul3A_17, %dma_start3A_23] : memref<2048x144xf32, #tpu.memory_space<hbm>> -> memref<64x144xf32, #tpu.memory_space<hbm>>
      %dma_start3A_25 = arith.constant 0 : i32
      %dma_start3A_26 = tpu.memref_slice %arg8[%mul3A_17, %dma_start3A_25] : memref<2048x144xf32, #tpu.memory_space<hbm>> -> memref<64x144xf32, #tpu.memory_space<hbm>>
      tpu.enqueue_dma source(%arg13 : memref<64x144xf32, #tpu.memory_space<vmem>>) target(%dma_start3A_26 : memref<64x144xf32, #tpu.memory_space<hbm>>) target_semaphore(%run_scoped3A : memref<!tpu.dma_semaphore, #tpu.memory_space<semaphore_mem>>)
      %dma_wait3A_27 = arith.constant 0 : i32
      %dma_wait3A_28 = tpu.memref_slice %arg8[%mul3A_17, %dma_wait3A_27] : memref<2048x144xf32, #tpu.memory_space<hbm>> -> memref<64x144xf32, #tpu.memory_space<hbm>>
      %dma_wait3A_29 = arith.constant 0 : i32
      %dma_wait3A_30 = tpu.memref_slice %arg8[%mul3A_17, %dma_wait3A_29] : memref<2048x144xf32, #tpu.memory_space<hbm>> -> memref<64x144xf32, #tpu.memory_space<hbm>>
      tpu.wait_dma2 semaphore(%run_scoped3A : memref<!tpu.dma_semaphore, #tpu.memory_space<semaphore_mem>>) src(%arg13 : memref<64x144xf32, #tpu.memory_space<vmem>>) dst(%dma_wait3A_30 : memref<64x144xf32, #tpu.memory_space<hbm>>)
      tpu.yield
    }) : () -> ()
    %dma_wait3A_18 = arith.constant 0 : i32
    %dma_wait3A_19 = arith.constant 0 : i32
    %dma_wait3A_20 = tpu.memref_slice %arg4[%dma_wait3A_18, %dma_wait3A_19] : memref<2176x144xf32, #tpu.memory_space<hbm>> -> memref<2176x144xf32, #tpu.memory_space<hbm>>
    tpu.wait_indirect_dma semaphore(%arg17 : memref<!tpu.dma_semaphore, #tpu.memory_space<semaphore_mem>>) src(%dma_wait3A_20 : memref<2176x144xf32, #tpu.memory_space<hbm>>) dst(%arg14 : memref<64x144xf32, #tpu.memory_space<vmem>>)
    %mul3A_21 = arith.constant 64 : i32
    %mul3A_22 = arith.muli %add3A, %mul3A_21 : i32
    "tpu.region"() ({
      %run_scoped3A = tpu.sem_alloc : memref<!tpu.dma_semaphore, #tpu.memory_space<semaphore_mem>>
      %dma_start3A_23 = arith.constant 0 : i32
      %dma_start3A_24 = tpu.memref_slice %arg9[%mul3A_22, %dma_start3A_23] : memref<2048x144xf32, #tpu.memory_space<hbm>> -> memref<64x144xf32, #tpu.memory_space<hbm>>
      %dma_start3A_25 = arith.constant 0 : i32
      %dma_start3A_26 = tpu.memref_slice %arg9[%mul3A_22, %dma_start3A_25] : memref<2048x144xf32, #tpu.memory_space<hbm>> -> memref<64x144xf32, #tpu.memory_space<hbm>>
      tpu.enqueue_dma source(%arg14 : memref<64x144xf32, #tpu.memory_space<vmem>>) target(%dma_start3A_26 : memref<64x144xf32, #tpu.memory_space<hbm>>) target_semaphore(%run_scoped3A : memref<!tpu.dma_semaphore, #tpu.memory_space<semaphore_mem>>)
      %dma_wait3A_27 = arith.constant 0 : i32
      %dma_wait3A_28 = tpu.memref_slice %arg9[%mul3A_22, %dma_wait3A_27] : memref<2048x144xf32, #tpu.memory_space<hbm>> -> memref<64x144xf32, #tpu.memory_space<hbm>>
      %dma_wait3A_29 = arith.constant 0 : i32
      %dma_wait3A_30 = tpu.memref_slice %arg9[%mul3A_22, %dma_wait3A_29] : memref<2048x144xf32, #tpu.memory_space<hbm>> -> memref<64x144xf32, #tpu.memory_space<hbm>>
      tpu.wait_dma2 semaphore(%run_scoped3A : memref<!tpu.dma_semaphore, #tpu.memory_space<semaphore_mem>>) src(%arg14 : memref<64x144xf32, #tpu.memory_space<vmem>>) dst(%dma_wait3A_30 : memref<64x144xf32, #tpu.memory_space<hbm>>)
      tpu.yield
    }) : () -> ()
    return
  }
}

module attributes {stable_mosaic.version = 14 : i64} {
  func.func @_vq_body(%arg0: i32, %arg1: i32, %arg2: memref<2048x144xf32, #tpu.memory_space<vmem>>, %arg3: memref<2048x144xf32, #tpu.memory_space<vmem>>, %arg4: memref<2048x144xf32, #tpu.memory_space<vmem>>, %arg5: memref<128x256xf32, #tpu.memory_space<vmem>>, %arg6: memref<128x256xf32, #tpu.memory_space<vmem>>, %arg7: memref<512x512xf32, #tpu.memory_space<vmem>>, %arg8: memref<1x512xf32, #tpu.memory_space<vmem>>, %arg9: memref<1024x512xf32, #tpu.memory_space<vmem>>, %arg10: memref<1000x1024xf32, #tpu.memory_space<vmem>>, %arg11: memref<1x1xf32, #tpu.memory_space<vmem>>, %arg12: memref<1000x512xf32, #tpu.memory_space<vmem>>, %arg13: memref<1000x1xf32, #tpu.memory_space<vmem>>, %arg14: memref<1000x1xf32, #tpu.memory_space<vmem>>, %arg15: memref<1000x1xi32, #tpu.memory_space<vmem>>, %arg16: memref<1x1xf32, #tpu.memory_space<smem>>) attributes {dimension_semantics = [#tpu.dimension_semantics<arbitrary>, #tpu.dimension_semantics<arbitrary>], iteration_bounds = array<i64: 2, 8>, scalar_prefetch = 0 : i64, scratch_operands = 5 : i64, tpu.core_type = #tpu.core_type<tc>, window_params = [{pipeline_mode = #tpu.pipeline_mode<synchronous>, transform_indices = @transform_0, window_bounds = array<i64: 2048, 144>}, {pipeline_mode = #tpu.pipeline_mode<synchronous>, transform_indices = @transform_1, window_bounds = array<i64: 2048, 144>}, {pipeline_mode = #tpu.pipeline_mode<synchronous>, transform_indices = @transform_2, window_bounds = array<i64: 2048, 144>}, {pipeline_mode = #tpu.pipeline_mode<synchronous>, transform_indices = @transform_3, window_bounds = array<i64: 128, 256>}, {pipeline_mode = #tpu.pipeline_mode<synchronous>, transform_indices = @transform_4, window_bounds = array<i64: 128, 256>}, {pipeline_mode = #tpu.pipeline_mode<synchronous>, transform_indices = @transform_5, window_bounds = array<i64: 512, 512>}, {pipeline_mode = #tpu.pipeline_mode<synchronous>, transform_indices = @transform_6, window_bounds = array<i64: 1, 512>}, {transform_indices = @transform_7, window_bounds = array<i64: 1024, 512>}, {transform_indices = @transform_8, window_bounds = array<i64: 1000, 1024>}, {pipeline_mode = #tpu.pipeline_mode<synchronous>, transform_indices = @transform_9, window_bounds = array<i64: 1, 1>}]} {
    %eq3A = arith.constant 0 : i32
    %eq3A_0 = arith.cmpi eq, %arg0, %eq3A : i32
    %eq3A_1 = arith.constant 0 : i32
    %eq3A_2 = arith.cmpi eq, %arg1, %eq3A_1 : i32
    %and3A = arith.andi %eq3A_0, %eq3A_2 : i1
    %convert_element_type3A = arith.extui %and3A : i1 to i32
    %cond3A = arith.constant 0 : i32
    %cond3A_3 = arith.cmpi ne, %convert_element_type3A, %cond3A : i32
    scf.if %cond3A_3 {
      %get3A_34 = arith.constant 0 : index
      %get3A_35 = arith.constant 0 : index
      %get3A_36 = vector.load %arg3[%get3A_34, %get3A_35] : memref<2048x144xf32, #tpu.memory_space<vmem>>, vector<2048x144xf32>
      %get3A_37 = arith.constant 0 : index
      %get3A_38 = arith.constant 0 : index
      %get3A_39 = vector.load %arg4[%get3A_37, %get3A_38] : memref<2048x144xf32, #tpu.memory_space<vmem>>, vector<2048x144xf32>
      %add3A_40 = arith.addf %get3A_36, %get3A_39 : vector<2048x144xf32>
      %slice3A = vector.extract_strided_slice %add3A_40 {offsets = [0, 128], sizes = [2048, 1], strides = [1, 1]} : vector<2048x144xf32> to vector<2048x1xf32>
      %max3A = arith.constant 1.000000e+00 : f32
      %max3A_41 = vector.broadcast %max3A : f32 to vector<2048x1xf32>
      %max3A_42 = arith.maximumf %slice3A, %max3A_41 : vector<2048x1xf32>
      %slice3A_43 = vector.extract_strided_slice %add3A_40 {offsets = [0, 0], sizes = [2048, 128], strides = [1, 1]} : vector<2048x144xf32> to vector<2048x128xf32>
      %div3A = vector.broadcast %max3A_42 : vector<2048x1xf32> to vector<2048x128xf32>
      %div3A_44 = arith.divf %slice3A_43, %div3A : vector<2048x128xf32>
      %get3A_45 = arith.constant 0 : index
      %get3A_46 = arith.constant 0 : index
      %get3A_47 = vector.load %arg2[%get3A_45, %get3A_46] : memref<2048x144xf32, #tpu.memory_space<vmem>>, vector<2048x128xf32>
      %get3A_48 = arith.constant 0 : index
      %get3A_49 = arith.constant 0 : index
      %get3A_50 = vector.load %arg5[%get3A_48, %get3A_49] : memref<128x256xf32, #tpu.memory_space<vmem>>, vector<128x256xf32>
      %dot_general3A_51 = arith.constant dense<0.000000e+00> : vector<2048x256xf32>
      %dot_general3A_52 = tpu.matmul %get3A_47, %get3A_50, %dot_general3A_51 {dimension_numbers = #tpu.dot_dimension_numbers<[1], [0], [0], [1], [0, 0, 1, 1], [], []>, transpose_lhs_hint = false} : vector<2048x128xf32>, vector<128x256xf32>, vector<2048x256xf32> -> vector<2048x256xf32>
      %get3A_53 = arith.constant 0 : index
      %get3A_54 = arith.constant 0 : index
      %get3A_55 = vector.load %arg6[%get3A_53, %get3A_54] : memref<128x256xf32, #tpu.memory_space<vmem>>, vector<128x256xf32>
      %dot_general3A_56 = arith.constant dense<0.000000e+00> : vector<2048x256xf32>
      %dot_general3A_57 = tpu.matmul %div3A_44, %get3A_55, %dot_general3A_56 {dimension_numbers = #tpu.dot_dimension_numbers<[1], [0], [0], [1], [0, 0, 1, 1], [], []>, transpose_lhs_hint = false} : vector<2048x128xf32>, vector<128x256xf32>, vector<2048x256xf32> -> vector<2048x256xf32>
      %add3A_58 = arith.addf %dot_general3A_52, %dot_general3A_57 : vector<2048x256xf32>
      %max3A_59 = arith.constant 0.000000e+00 : f32
      %max3A_60 = vector.broadcast %max3A_59 : f32 to vector<2048x256xf32>
      %max3A_61 = arith.maximumf %add3A_58, %max3A_60 : vector<2048x256xf32>
      %slice3A_62 = vector.extract_strided_slice %max3A_61 {offsets = [0, 0], sizes = [1000, 256], strides = [1, 1]} : vector<2048x256xf32> to vector<1000x256xf32>
      %get3A_63 = arith.constant 0 : index
      %get3A_64 = arith.constant 0 : index
      %get3A_65 = vector.load %arg7[%get3A_63, %get3A_64] : memref<512x512xf32, #tpu.memory_space<vmem>>, vector<256x512xf32>
      %dot_general3A_66 = arith.constant dense<0.000000e+00> : vector<1000x512xf32>
      %dot_general3A_67 = tpu.matmul %slice3A_62, %get3A_65, %dot_general3A_66 {dimension_numbers = #tpu.dot_dimension_numbers<[1], [0], [0], [1], [0, 0, 1, 1], [], []>, transpose_lhs_hint = false} : vector<1000x256xf32>, vector<256x512xf32>, vector<1000x512xf32> -> vector<1000x512xf32>
      %slice3A_68 = vector.extract_strided_slice %max3A_61 {offsets = [1024, 0], sizes = [1000, 256], strides = [1, 1]} : vector<2048x256xf32> to vector<1000x256xf32>
      %get3A_69 = arith.constant 256 : index
      %get3A_70 = arith.constant 0 : index
      %get3A_71 = vector.load %arg7[%get3A_69, %get3A_70] : memref<512x512xf32, #tpu.memory_space<vmem>>, vector<256x512xf32>
      %dot_general3A_72 = arith.constant dense<0.000000e+00> : vector<1000x512xf32>
      %dot_general3A_73 = tpu.matmul %slice3A_68, %get3A_71, %dot_general3A_72 {dimension_numbers = #tpu.dot_dimension_numbers<[1], [0], [0], [1], [0, 0, 1, 1], [], []>, transpose_lhs_hint = false} : vector<1000x256xf32>, vector<256x512xf32>, vector<1000x512xf32> -> vector<1000x512xf32>
      %add3A_74 = arith.addf %dot_general3A_67, %dot_general3A_73 : vector<1000x512xf32>
      %get3A_75 = arith.constant 0 : index
      %get3A_76 = arith.constant 0 : index
      %get3A_77 = vector.load %arg8[%get3A_75, %get3A_76] : memref<1x512xf32, #tpu.memory_space<vmem>>, vector<1x512xf32>
      %add3A_78 = vector.broadcast %get3A_77 : vector<1x512xf32> to vector<1000x512xf32>
      %add3A_79 = arith.addf %add3A_74, %add3A_78 : vector<1000x512xf32>
      %swap3A = arith.constant 0 : index
      %swap3A_80 = arith.constant 0 : index
      %swap3A_81 = vector.load %arg12[%swap3A, %swap3A_80] : memref<1000x512xf32, #tpu.memory_space<vmem>>, vector<1000x512xf32>
      tpu.vector_store %arg12[%swap3A, %swap3A_80], %add3A_79 {strides = array<i32>} : memref<1000x512xf32, #tpu.memory_space<vmem>>, vector<1000x512xf32>,
      %broadcast_in_dim3A_82 = arith.constant 0x7F800000 : f32
      %broadcast_in_dim3A_83 = vector.broadcast %broadcast_in_dim3A_82 : f32 to vector<1000x1xf32>
      %swap3A_84 = arith.constant 0 : index
      %swap3A_85 = arith.constant 0 : index
      %swap3A_86 = vector.load %arg13[%swap3A_84, %swap3A_85] : memref<1000x1xf32, #tpu.memory_space<vmem>>, vector<1000x1xf32>
      tpu.vector_store %arg13[%swap3A_84, %swap3A_85], %broadcast_in_dim3A_83 {strides = array<i32>} : memref<1000x1xf32, #tpu.memory_space<vmem>>, vector<1000x1xf32>,
      %broadcast_in_dim3A_87 = arith.constant 0.000000e+00 : f32
      %broadcast_in_dim3A_88 = vector.broadcast %broadcast_in_dim3A_87 : f32 to vector<1000x1xf32>
      %swap3A_89 = arith.constant 0 : index
      %swap3A_90 = arith.constant 0 : index
      %swap3A_91 = vector.load %arg14[%swap3A_89, %swap3A_90] : memref<1000x1xf32, #tpu.memory_space<vmem>>, vector<1000x1xf32>
      tpu.vector_store %arg14[%swap3A_89, %swap3A_90], %broadcast_in_dim3A_88 {strides = array<i32>} : memref<1000x1xf32, #tpu.memory_space<vmem>>, vector<1000x1xf32>,
      %broadcast_in_dim3A_92 = arith.constant 1073741824 : i32
      %broadcast_in_dim3A_93 = vector.broadcast %broadcast_in_dim3A_92 : i32 to vector<1000x1xi32>
      %swap3A_94 = arith.constant 0 : index
      %swap3A_95 = arith.constant 0 : index
      %swap3A_96 = vector.load %arg15[%swap3A_94, %swap3A_95] : memref<1000x1xi32, #tpu.memory_space<vmem>>, vector<1000x1xi32>
      tpu.vector_store %arg15[%swap3A_94, %swap3A_95], %broadcast_in_dim3A_93 {strides = array<i32>} : memref<1000x1xi32, #tpu.memory_space<vmem>>, vector<1000x1xi32>,
    } else {
    }
    %get3A = arith.constant 0 : index
    %get3A_4 = arith.constant 0 : index
    %get3A_5 = vector.load %arg12[%get3A, %get3A_4] : memref<1000x512xf32, #tpu.memory_space<vmem>>, vector<1000x512xf32>
    %get3A_6 = arith.constant 0 : index
    %get3A_7 = arith.constant 0 : index
    %get3A_8 = vector.load %arg9[%get3A_6, %get3A_7] : memref<1024x512xf32, #tpu.memory_space<vmem>>, vector<1024x512xf32>
    %mul3A = arith.mulf %get3A_5, %get3A_5 : vector<1000x512xf32>
    %reduce_sum3A = arith.constant dense<0.000000e+00> : vector<1000xf32>
    %reduce_sum3A_9 = vector.multi_reduction <add>, %mul3A, %reduce_sum3A [1] : vector<1000x512xf32> to vector<1000xf32>
    %broadcast_in_dim3A = vector.shape_cast %reduce_sum3A_9 : vector<1000xf32> to vector<1000x1xf32>
    %dot_general3A = arith.constant dense<0.000000e+00> : vector<1000x1024xf32>
    %dot_general3A_10 = tpu.matmul %get3A_5, %get3A_8, %dot_general3A {dimension_numbers = #tpu.dot_dimension_numbers<[1], [1], [0], [0], [0, 0, 1, 0], [], []>, transpose_lhs_hint = false} : vector<1000x512xf32>, vector<1024x512xf32>, vector<1000x1024xf32> -> vector<1000x1024xf32>
    %mul3A_11 = arith.constant 2.000000e+00 : f32
    %mul3A_12 = vector.broadcast %mul3A_11 : f32 to vector<1000x1024xf32>
    %mul3A_13 = arith.mulf %mul3A_12, %dot_general3A_10 : vector<1000x1024xf32>
    %sub3A = vector.broadcast %broadcast_in_dim3A : vector<1000x1xf32> to vector<1000x1024xf32>
    %sub3A_14 = arith.subf %sub3A, %mul3A_13 : vector<1000x1024xf32>
    %mul3A_15 = arith.mulf %get3A_8, %get3A_8 : vector<1024x512xf32>
    %reduce_sum3A_16 = arith.constant dense<0.000000e+00> : vector<1024xf32>
    %reduce_sum3A_17 = vector.multi_reduction <add>, %mul3A_15, %reduce_sum3A_16 [1] : vector<1024x512xf32> to vector<1024xf32>
    %broadcast_in_dim3A_18 = vector.shape_cast %reduce_sum3A_17 : vector<1024xf32> to vector<1x1024xf32>
    %add3A = vector.broadcast %broadcast_in_dim3A_18 : vector<1x1024xf32> to vector<1000x1024xf32>
    %add3A_19 = arith.addf %sub3A_14, %add3A : vector<1000x1024xf32>
    %iota3A = tpu.iota {dimensions = array<i32: 1>} : vector<1000x1024xi32>
    %mul3A_20 = arith.constant 1024 : i32
    %mul3A_21 = arith.muli %arg1, %mul3A_20 : i32
    %add3A_22 = vector.broadcast %mul3A_21 : i32 to vector<1000x1024xi32>
    %add3A_23 = arith.addi %iota3A, %add3A_22 : vector<1000x1024xi32>
    %eq3A_24 = arith.constant 0 : i32
    %eq3A_25 = arith.cmpi eq, %arg0, %eq3A_24 : i32
    %convert_element_type3A_26 = arith.extui %eq3A_25 : i1 to i32
    %cond3A_27 = arith.constant 0 : i32
    %cond3A_28 = arith.cmpi ne, %convert_element_type3A_26, %cond3A_27 : i32
    scf.if %cond3A_28 {
      %reduce_min3A = arith.constant dense<0x7F800000> : vector<1000xf32>
      %reduce_min3A_34 = vector.multi_reduction <minimumf>, %add3A_19, %reduce_min3A [1] : vector<1000x1024xf32> to vector<1000xf32>
      %broadcast_in_dim3A_35 = vector.shape_cast %reduce_min3A_34 : vector<1000xf32> to vector<1000x1xf32>
      %eq3A_36 = vector.broadcast %broadcast_in_dim3A_35 : vector<1000x1xf32> to vector<1000x1024xf32>
      %eq3A_37 = arith.cmpf oeq, %add3A_19, %eq3A_36 : vector<1000x1024xf32>
      %jit3A = arith.constant 1073741824 : i32
      %broadcast_in_dim3A_38 = vector.broadcast %jit3A : i32 to vector<1000x1024xi32>
      %select_n3A = arith.select %eq3A_37, %add3A_23, %broadcast_in_dim3A_38 : vector<1000x1024xi1>, vector<1000x1024xi32>
      %reduce_min3A_39 = arith.constant dense<2147483647> : vector<1000xi32>
      %reduce_min3A_40 = vector.multi_reduction <minsi>, %select_n3A, %reduce_min3A_39 [1] : vector<1000x1024xi32> to vector<1000xi32>
      %broadcast_in_dim3A_41 = vector.shape_cast %reduce_min3A_40 : vector<1000xi32> to vector<1000x1xi32>
      %get3A_42 = arith.constant 0 : index
      %get3A_43 = arith.constant 0 : index
      %get3A_44 = vector.load %arg13[%get3A_42, %get3A_43] : memref<1000x1xf32, #tpu.memory_space<vmem>>, vector<1000x1xf32>
      %lt3A = arith.cmpf olt, %broadcast_in_dim3A_35, %get3A_44 : vector<1000x1xf32>
      %min3A = arith.minimumf %get3A_44, %broadcast_in_dim3A_35 : vector<1000x1xf32>
      %get3A_45 = arith.constant 0 : index
      %get3A_46 = arith.constant 0 : index
      %get3A_47 = vector.load %arg15[%get3A_45, %get3A_46] : memref<1000x1xi32, #tpu.memory_space<vmem>>, vector<1000x1xi32>
      %select_n3A_48 = arith.select %lt3A, %broadcast_in_dim3A_41, %get3A_47 : vector<1000x1xi1>, vector<1000x1xi32>
      %swap3A = arith.constant 0 : index
      %swap3A_49 = arith.constant 0 : index
      %swap3A_50 = vector.load %arg15[%swap3A, %swap3A_49] : memref<1000x1xi32, #tpu.memory_space<vmem>>, vector<1000x1xi32>
      tpu.vector_store %arg15[%swap3A, %swap3A_49], %select_n3A_48 {strides = array<i32>} : memref<1000x1xi32, #tpu.memory_space<vmem>>, vector<1000x1xi32>,
      %get3A_51 = arith.constant 0 : index
      %get3A_52 = arith.constant 0 : index
      %get3A_53 = vector.load %arg14[%get3A_51, %get3A_52] : memref<1000x1xf32, #tpu.memory_space<vmem>>, vector<1000x1xf32>
      %sub3A_54 = arith.subf %min3A, %get3A_44 : vector<1000x1xf32>
      %exp3A = math.exp %sub3A_54 : vector<1000x1xf32>
      %mul3A_55 = arith.mulf %get3A_53, %exp3A : vector<1000x1xf32>
      %sub3A_56 = vector.broadcast %min3A : vector<1000x1xf32> to vector<1000x1024xf32>
      %sub3A_57 = arith.subf %sub3A_56, %add3A_19 : vector<1000x1024xf32>
      %exp3A_58 = math.exp %sub3A_57 : vector<1000x1024xf32>
      %reduce_sum3A_59 = arith.constant dense<0.000000e+00> : vector<1000xf32>
      %reduce_sum3A_60 = vector.multi_reduction <add>, %exp3A_58, %reduce_sum3A_59 [1] : vector<1000x1024xf32> to vector<1000xf32>
      %broadcast_in_dim3A_61 = vector.shape_cast %reduce_sum3A_60 : vector<1000xf32> to vector<1000x1xf32>
      %add3A_62 = arith.addf %mul3A_55, %broadcast_in_dim3A_61 : vector<1000x1xf32>
      %swap3A_63 = arith.constant 0 : index
      %swap3A_64 = arith.constant 0 : index
      %swap3A_65 = vector.load %arg14[%swap3A_63, %swap3A_64] : memref<1000x1xf32, #tpu.memory_space<vmem>>, vector<1000x1xf32>
      tpu.vector_store %arg14[%swap3A_63, %swap3A_64], %add3A_62 {strides = array<i32>} : memref<1000x1xf32, #tpu.memory_space<vmem>>, vector<1000x1xf32>,
      %swap3A_66 = arith.constant 0 : index
      %swap3A_67 = arith.constant 0 : index
      %swap3A_68 = vector.load %arg13[%swap3A_66, %swap3A_67] : memref<1000x1xf32, #tpu.memory_space<vmem>>, vector<1000x1xf32>
      tpu.vector_store %arg13[%swap3A_66, %swap3A_67], %min3A {strides = array<i32>} : memref<1000x1xf32, #tpu.memory_space<vmem>>, vector<1000x1xf32>,
    } else {
    }
    %eq3A_29 = arith.constant 1 : i32
    %eq3A_30 = arith.cmpi eq, %arg0, %eq3A_29 : i32
    %convert_element_type3A_31 = arith.extui %eq3A_30 : i1 to i32
    %cond3A_32 = arith.constant 0 : i32
    %cond3A_33 = arith.cmpi ne, %convert_element_type3A_31, %cond3A_32 : i32
    scf.if %cond3A_33 {
      %eq3A_34 = arith.constant 0 : i32
      %eq3A_35 = arith.cmpi eq, %arg1, %eq3A_34 : i32
      %convert_element_type3A_36 = arith.extui %eq3A_35 : i1 to i32
      %cond3A_37 = arith.constant 0 : i32
      %cond3A_38 = arith.cmpi ne, %convert_element_type3A_36, %cond3A_37 : i32
      scf.if %cond3A_38 {
        %swap3A_85 = arith.constant 0.000000e+00 : f32
        %swap3A_86 = arith.constant 0 : index
        %swap3A_87 = arith.constant 0 : index
        %swap3A_88 = memref.load %arg16[%swap3A_86, %swap3A_87] : memref<1x1xf32, #tpu.memory_space<smem>>
        memref.store %swap3A_85, %arg16[%swap3A_86, %swap3A_87] : memref<1x1xf32, #tpu.memory_space<smem>>
      } else {
      }
      %get3A_39 = arith.constant 0 : index
      %get3A_40 = arith.constant 0 : index
      %get3A_41 = vector.load %arg13[%get3A_39, %get3A_40] : memref<1000x1xf32, #tpu.memory_space<vmem>>, vector<1000x1xf32>
      %sub3A_42 = vector.broadcast %get3A_41 : vector<1000x1xf32> to vector<1000x1024xf32>
      %sub3A_43 = arith.subf %sub3A_42, %add3A_19 : vector<1000x1024xf32>
      %exp3A = math.exp %sub3A_43 : vector<1000x1024xf32>
      %get3A_44 = arith.constant 0 : index
      %get3A_45 = arith.constant 0 : index
      %get3A_46 = vector.load %arg14[%get3A_44, %get3A_45] : memref<1000x1xf32, #tpu.memory_space<vmem>>, vector<1000x1xf32>
      %div3A = vector.broadcast %get3A_46 : vector<1000x1xf32> to vector<1000x1024xf32>
      %div3A_47 = arith.divf %exp3A, %div3A : vector<1000x1024xf32>
      %reduce_sum3A_48 = arith.constant dense<0.000000e+00> : vector<1024xf32>
      %reduce_sum3A_49 = vector.multi_reduction <add>, %div3A_47, %reduce_sum3A_48 [0] : vector<1000x1024xf32> to vector<1024xf32>
      %broadcast_in_dim3A_50 = vector.shape_cast %reduce_sum3A_49 : vector<1024xf32> to vector<1x1024xf32>
      %mul3A_51 = arith.constant 1.000000e-03 : f32
      %mul3A_52 = vector.broadcast %mul3A_51 : f32 to vector<1x1024xf32>
      %mul3A_53 = arith.mulf %broadcast_in_dim3A_50, %mul3A_52 : vector<1x1024xf32>
      %get3A_54 = arith.constant 0 : index
      %get3A_55 = arith.constant 0 : index
      %get3A_56 = memref.load %arg16[%get3A_54, %get3A_55] : memref<1x1xf32, #tpu.memory_space<smem>>
      %add3A_57 = arith.constant 9.99999971E-10 : f32
      %add3A_58 = vector.broadcast %add3A_57 : f32 to vector<1x1024xf32>
      %add3A_59 = arith.addf %mul3A_53, %add3A_58 : vector<1x1024xf32>
      %log3A = math.log %add3A_59 : vector<1x1024xf32>
      %mul3A_60 = arith.mulf %mul3A_53, %log3A : vector<1x1024xf32>
      %reduce_sum3A_61 = vector.shape_cast %mul3A_60 : vector<1x1024xf32> to vector<1x1x1024xf32>
      %reduce_sum3A_62 = arith.constant dense<0.000000e+00> : vector<1xf32>
      %reduce_sum3A_63 = vector.multi_reduction <add>, %reduce_sum3A_61, %reduce_sum3A_62 [1, 2] : vector<1x1x1024xf32> to vector<1xf32>
      %reduce_sum3A_64 = vector.shape_cast %reduce_sum3A_63 : vector<1xf32> to vector<1x1x1xf32>
      %reduce_sum3A_65 = vector.extract %reduce_sum3A_64[0, 0, 0] : f32 from vector<1x1x1xf32>
      %add3A_66 = arith.addf %get3A_56, %reduce_sum3A_65 : f32
      %swap3A = arith.constant 0 : index
      %swap3A_67 = arith.constant 0 : index
      %swap3A_68 = memref.load %arg16[%swap3A, %swap3A_67] : memref<1x1xf32, #tpu.memory_space<smem>>
      memref.store %add3A_66, %arg16[%swap3A, %swap3A_67] : memref<1x1xf32, #tpu.memory_space<smem>>
      %get3A_69 = arith.constant 0 : index
      %get3A_70 = arith.constant 0 : index
      %get3A_71 = vector.load %arg15[%get3A_69, %get3A_70] : memref<1000x1xi32, #tpu.memory_space<vmem>>, vector<1000x1xi32>
      %eq3A_72 = vector.broadcast %get3A_71 : vector<1000x1xi32> to vector<1000x1024xi32>
      %eq3A_73 = arith.cmpi eq, %add3A_23, %eq3A_72 : vector<1000x1024xi32>
      %jit3A = arith.constant 1.000000e+00 : f32
      %jit3A_74 = arith.constant 0.000000e+00 : f32
      %broadcast_in_dim3A_75 = vector.broadcast %jit3A : f32 to vector<1000x1024xf32>
      %broadcast_in_dim3A_76 = vector.broadcast %jit3A_74 : f32 to vector<1000x1024xf32>
      %select_n3A = arith.select %eq3A_73, %broadcast_in_dim3A_75, %broadcast_in_dim3A_76 : vector<1000x1024xi1>, vector<1000x1024xf32>
      %swap3A_77 = arith.constant 0 : index
      %swap3A_78 = arith.constant 0 : index
      %swap3A_79 = vector.load %arg10[%swap3A_77, %swap3A_78] : memref<1000x1024xf32, #tpu.memory_space<vmem>>, vector<1000x1024xf32>
      tpu.vector_store %arg10[%swap3A_77, %swap3A_78], %select_n3A {strides = array<i32>} : memref<1000x1024xf32, #tpu.memory_space<vmem>>, vector<1000x1024xf32>,
      %eq3A_80 = arith.constant 7 : i32
      %eq3A_81 = arith.cmpi eq, %arg1, %eq3A_80 : i32
      %convert_element_type3A_82 = arith.extui %eq3A_81 : i1 to i32
      %cond3A_83 = arith.constant 0 : i32
      %cond3A_84 = arith.cmpi ne, %convert_element_type3A_82, %cond3A_83 : i32
      scf.if %cond3A_84 {
        %get3A_85 = arith.constant 0 : index
        %get3A_86 = arith.constant 0 : index
        %get3A_87 = vector.load %arg13[%get3A_85, %get3A_86] : memref<1000x1xf32, #tpu.memory_space<vmem>>, vector<1000x1xf32>
        %reduce_sum3A_88 = vector.shape_cast %get3A_87 : vector<1000x1xf32> to vector<1x1000x1xf32>
        %reduce_sum3A_89 = arith.constant dense<0.000000e+00> : vector<1xf32>
        %reduce_sum3A_90 = vector.multi_reduction <add>, %reduce_sum3A_88, %reduce_sum3A_89 [1, 2] : vector<1x1000x1xf32> to vector<1xf32>
        %reduce_sum3A_91 = vector.shape_cast %reduce_sum3A_90 : vector<1xf32> to vector<1x1x1xf32>
        %reduce_sum3A_92 = vector.extract %reduce_sum3A_91[0, 0, 0] : f32 from vector<1x1x1xf32>
        %mul3A_93 = arith.constant 2.000000e-01 : f32
        %mul3A_94 = arith.mulf %mul3A_93, %reduce_sum3A_92 : f32
        %mul3A_95 = arith.constant 1.95312509E-6 : f32
        %mul3A_96 = arith.mulf %mul3A_94, %mul3A_95 : f32
        %get3A_97 = arith.constant 0 : index
        %get3A_98 = arith.constant 0 : index
        %get3A_99 = memref.load %arg16[%get3A_97, %get3A_98] : memref<1x1xf32, #tpu.memory_space<smem>>
        %mul3A_100 = arith.constant 1.000000e-01 : f32
        %mul3A_101 = arith.mulf %mul3A_100, %get3A_99 : f32
        %add3A_102 = arith.addf %mul3A_96, %mul3A_101 : f32
        %broadcast_in_dim3A_103 = vector.broadcast %add3A_102 : f32 to vector<1x1xf32>
        %swap3A_104 = arith.constant 0 : index
        %swap3A_105 = arith.constant 0 : index
        %swap3A_106 = vector.load %arg11[%swap3A_104, %swap3A_105] : memref<1x1xf32, #tpu.memory_space<vmem>>, vector<1x1xf32>
        tpu.vector_store %arg11[%swap3A_104, %swap3A_105], %broadcast_in_dim3A_103 {strides = array<i32>} : memref<1x1xf32, #tpu.memory_space<vmem>>, vector<1x1xf32>,
      } else {
      }
    } else {
    }
    return
  }
  func.func @transform_0(%arg0: i32, %arg1: i32) -> (i32, i32) {
    %c0_i32 = arith.constant 0 : i32
    %c0_i32_0 = arith.constant 0 : i32
    %c0_i32_1 = arith.constant 0 : i32
    return %c0_i32, %c0_i32_0 : i32, i32
  }
  func.func @transform_1(%arg0: i32, %arg1: i32) -> (i32, i32) {
    %c0_i32 = arith.constant 0 : i32
    %c0_i32_0 = arith.constant 0 : i32
    %c0_i32_1 = arith.constant 0 : i32
    return %c0_i32, %c0_i32_0 : i32, i32
  }
  func.func @transform_2(%arg0: i32, %arg1: i32) -> (i32, i32) {
    %c0_i32 = arith.constant 0 : i32
    %c0_i32_0 = arith.constant 0 : i32
    %c0_i32_1 = arith.constant 0 : i32
    return %c0_i32, %c0_i32_0 : i32, i32
  }
  func.func @transform_3(%arg0: i32, %arg1: i32) -> (i32, i32) {
    %c0_i32 = arith.constant 0 : i32
    %c0_i32_0 = arith.constant 0 : i32
    %c0_i32_1 = arith.constant 0 : i32
    return %c0_i32, %c0_i32_0 : i32, i32
  }
  func.func @transform_4(%arg0: i32, %arg1: i32) -> (i32, i32) {
    %c0_i32 = arith.constant 0 : i32
    %c0_i32_0 = arith.constant 0 : i32
    %c0_i32_1 = arith.constant 0 : i32
    return %c0_i32, %c0_i32_0 : i32, i32
  }
  func.func @transform_5(%arg0: i32, %arg1: i32) -> (i32, i32) {
    %c0_i32 = arith.constant 0 : i32
    %c0_i32_0 = arith.constant 0 : i32
    %c0_i32_1 = arith.constant 0 : i32
    return %c0_i32, %c0_i32_0 : i32, i32
  }
  func.func @transform_6(%arg0: i32, %arg1: i32) -> (i32, i32) {
    %c0_i32 = arith.constant 0 : i32
    %c0_i32_0 = arith.constant 0 : i32
    %c0_i32_1 = arith.constant 0 : i32
    return %c0_i32, %c0_i32_0 : i32, i32
  }
  func.func @transform_7(%arg0: i32, %arg1: i32) -> (i32, i32) {
    %c0_i32 = arith.constant 0 : i32
    %c0_i32_0 = arith.constant 0 : i32
    return %arg1, %c0_i32 : i32, i32
  }
  func.func @transform_8(%arg0: i32, %arg1: i32) -> (i32, i32) {
    %c0_i32 = arith.constant 0 : i32
    %c0_i32_0 = arith.constant 0 : i32
    return %c0_i32, %arg1 : i32, i32
  }
  func.func @transform_9(%arg0: i32, %arg1: i32) -> (i32, i32) {
    %c0_i32 = arith.constant 0 : i32
    %c0_i32_0 = arith.constant 0 : i32
    %c0_i32_1 = arith.constant 0 : i32
    return %c0_i32, %c0_i32_0 : i32, i32
  }
}

</mosaic_0001>

<sc_bundles>
// kernel: kernel.5.cloned.1.call-start
scs
__scs_entry_jumppad:
0x0: {  	(pc) =	sbr.rel $0x88, $3  }
0x1: {  	(tag) =	ssettag $0x0;
	lr =	simm.s32 $0x1  }
0x2: {  	[smem:$0x3F97] =	sst lr;
	_ =	strace $0xD0000000  }
0x3: {  	_ = 	snop  }
0x4: {  	_ = 	snop  }
0x5: {  	_ = 	snop  }
0x6: {  	_ = 	snop  }
0x7: {  	_ = 	snop  }
__scs_overlays_trampoline_lowered:
0x8: {  	[smem:$0x3FA6] =	sst s0  }
0x9: {  	[smem:$0x3FA7] =	sst s1  }
0xa: {  	[smem:$0x3FA8] =	sst s2  }
0xb: {  	[smem:$0x3FA9] =	sst s3  }
0xc: {  	[smem:$0x3FAA] =	sst s4  }
0xd: {  	[smem:$0x3FAB] =	sst s5  }
0xe: {  	[smem:$0x3FAC] =	sst s6  }
0xf: {  	[smem:$0x3FAD] =	sst s7  }
0x10: {  	[smem:$0x3FAE] =	sst s8  }
0x11: {  	[smem:$0x3FAF] =	sst s9;
	s0 =	simm.s32 @!p0 $0x0  }
0x12: {  	s1 =	sld [smem:$0x3F95];
	s0 =	simm.s32 @p0 $0x1  }
0x13: {  	[smem:$0x3FB0] =	sst s0;
	s0 =	simm.s32 @!p1 $0x0  }
0x14: {  	s2 =	sld [smem:$0x3F94];
	s0 =	simm.s32 @p1 $0x1  }
0x15: {  	[smem:$0x3FB1] =	sst s0;
	s0 =	simm.s32 @!p2 $0x0  }
0x16: {  	s3 =	sld [smem:$0x3FDB];
	s0 =	simm.s32 @p2 $0x1  }
0x17: {  	s4 =	simm.s32 $0x1BF5;
	[smem:$0x3FB3] =	sst s0  }
0x18: {  	s0 =	sld [smem:$0x3F96];
	_ =	swait.ge [sflag:s4], $0x0  }
0x19: {  	s7 =	sld [smem:$0x3F97]  }
0x1a: {  	s8 =	sadd.s32 $0xFFFFE003, lr  }
0x1b: {  	s9 =	sadd.s32 $0xFFFFFEF7, lr;
	s5 =	simm.s32 $0xFFFFFFFF;
	p2 =	slt.u32 s8, $0xFFFFF086  }
0x1c: {  	p1 =	slt.u32 s9, $0xF7A;
	s5 =	simm.s32 @!p2 $0x0  }
0x1d: {  	s5 =	simm.s32 @p1 $0x1;
	p0 =	seq.s32 s7, s2  }
0x1e: {  	s7 =	smul.u32 @!p0 $0xF7A, s2;
	p2 =	seq.s32 @!p0 s5, $0x0  }
0x1f: {  	s9 =	smul.u32 $0xF7A, s1;
	s8 =	simm.s32 @!p0 $0x1BF5;
	p2 =	por !p2, p0  }
0x20: {  	[sflag:s8] =	ssyncset.s32 @!p0 $0xFFFFF086;
	s6 =	sadd.s32 @!p0 s3, s7;
	s7 =	simm.s32 @!p0 $0x108  }
0x21: {  	s3 =	sadd.s32 s3, s9;
	s6 =	sadd.s32 @!p0 $0x88, s6;
	s7 =	simm.s32 @p2 $0x1082  }
0x22: {  	[simem:s7], [sflag:s8] =	dma.local @!p0 [hbm:s6], $0xF7A  }
0x23: {  	s9 =	sor.u32 $0xD0000000, s2;
	s6 =	simm.s32 $0x108;
	_ =	swait.ge @!p0 [sflag:s8], $0x0  }
0x24: {  	s3 =	sadd.s32 $0x88, s3;
	s6 =	simm.s32 @!p1 $0x1082;
	[sflag:s4] =	ssyncset.s32 $0xFFFFF086  }
0x25: {  	[simem:s6], [sflag:s4] =	dma.local [hbm:s3], $0xF7A  }
0x26: {  	[smem:$0x3F97] =	sst s1;
	(tag) =	ssettag s2;
	_ =	strace s9  }
0x27: {  	s1 =	sld [smem:$0x3FA7]  }
0x28: {  	s2 =	sld [smem:$0x3FA8]  }
0x29: {  	s4 =	sld [smem:$0x3FAA]  }
0x2a: {  	p0 =	seq.s32 s5, $0x0;
	s5 =	sld [smem:$0x3FAB]  }
0x2b: {  	s6 =	sld [smem:$0x3FAC]  }
0x2c: {  	s7 =	sld [smem:$0x3FAD]  }
0x2d: {  	s3 =	simm.s32 $0x108;
	s8 =	sld [smem:$0x3FAE]  }
0x2e: {  	s3 =	simm.s32 @!p0 $0x1082;
	s9 =	sld [smem:$0x3FAF]  }
0x2f: {  	lr =	sadd.s32 s0, s3;
	s0 =	sld [smem:$0x3FA6]  }
0x30: {  	s3 =	sld [smem:$0x3FA9]  }
0x31: {  	[smem:$0x3FB2] =	sst s10  }
0x32: {  	s10 =	sld [smem:$0x3FB0];
	_ =	sdelay $0x3  }
0x33: {  	p0 =	seq.s32 s10, $0x1;
	s10 =	sld [smem:$0x3FB2];
	_ =	sdelay $0x3  }
0x34: {  	[smem:$0x3FB2] =	sst s10  }
0x35: {  	s10 =	sld [smem:$0x3FB1];
	_ =	sdelay $0x3  }
0x36: {  	p1 =	seq.s32 s10, $0x1;
	s10 =	sld [smem:$0x3FB2];
	_ =	sdelay $0x3  }
0x37: {  	[smem:$0x3FB2] =	sst s10  }
0x38: {  	s10 =	sld [smem:$0x3FB3]  }
0x39: {  	_ = 	snop;
	(pc) =	sbr.ind lr, $3  }
0x3a: {  	_ = 	snop  }
0x3b: {  	_ = 	snop  }
0x3c: {  	p2 =	seq.s32 s10, $0x1;
	s10 =	sld [smem:$0x3FB2]  }
0x3d: {  	_ =	shalt  }
0x3e: {  	_ =	shalt  }
0x3f: {  	_ =	shalt  }
0x40: {  	_ =	shalt  }
0x41: {  	_ =	shalt  }
0x42: {  	_ =	shalt  }
0x43: {  	_ =	shalt  }
0x44: {  	_ =	shalt  }
0x45: {  	_ =	shalt  }
0x46: {  	_ =	shalt  }
0x47: {  	_ =	shalt  }
0x48: {  	_ =	shalt  }
0x49: {  	_ =	shalt  }
0x4a: {  	_ =	shalt  }
0x4b: {  	_ =	shalt  }
0x4c: {  	_ =	shalt  }
0x4d: {  	_ =	shalt  }
0x4e: {  	_ =	shalt  }
0x4f: {  	_ =	shalt  }
0x50: {  	_ =	shalt  }
0x51: {  	_ =	shalt  }
0x52: {  	_ =	shalt  }
0x53: {  	_ =	shalt  }
0x54: {  	_ =	shalt  }
0x55: {  	_ =	shalt  }
0x56: {  	_ =	shalt  }
0x57: {  	_ =	shalt  }
0x58: {  	_ =	shalt  }
0x59: {  	_ =	shalt  }
0x5a: {  	_ =	shalt  }
0x5b: {  	_ =	shalt  }
0x5c: {  	_ =	shalt  }
0x5d: {  	_ =	shalt  }
0x5e: {  	_ =	shalt  }
0x5f: {  	_ =	shalt  }
0x60: {  	_ =	shalt  }
0x61: {  	_ =	shalt  }
0x62: {  	_ =	shalt  }
0x63: {  	_ =	shalt  }
0x64: {  	_ =	shalt  }
0x65: {  	_ =	shalt  }
0x66: {  	_ =	shalt  }
0x67: {  	_ =	shalt  }
0x68: {  	_ =	shalt  }
0x69: {  	_ =	shalt  }
0x6a: {  	_ =	shalt  }
0x6b: {  	_ =	shalt  }
0x6c: {  	_ =	shalt  }
0x6d: {  	_ =	shalt  }
0x6e: {  	_ =	shalt  }
0x6f: {  	_ =	shalt  }
0x70: {  	_ =	shalt  }
0x71: {  	_ =	shalt  }
0x72: {  	_ =	shalt  }
0x73: {  	_ =	shalt  }
0x74: {  	_ =	shalt  }
0x75: {  	_ =	shalt  }
0x76: {  	_ =	shalt  }
0x77: {  	_ =	shalt  }
0x78: {  	_ =	shalt  }
0x79: {  	_ =	shalt  }
0x7a: {  	_ =	shalt  }
0x7b: {  	_ =	shalt  }
0x7c: {  	_ =	shalt  }
0x7d: {  	_ =	shalt  }
0x7e: {  	_ =	shalt  }
0x7f: {  	_ =	shalt  }
0x80: {  	_ =	shalt  }
0x81: {  	_ =	shalt  }
0x82: {  	_ =	shalt  }
0x83: {  	_ =	shalt  }
0x84: {  	_ =	shalt  }
0x85: {  	_ =	shalt  }
0x86: {  	_ =	shalt  }
0x87: {  	_ =	shalt  }
.Lfunc_end0:
.L_simem_size_0:
called_computation_lowered:
.L_overlay_start_0:
0x88: {  	s2 =	sld [smem:$0x3FD9]  }
0x89: {  	s3 =	sld [smem:$0x3FFE];
	_ =	sdelay $0x1  }
0x8a: {  	s1 =	srdreg.scid  }
0x8b: {  	s0 =	sand.u32 $0x1, s1  }
0x8c: {  	s14 =	sshll.u32 s0, $0xA;
	s2 =	sadd.s32 s3, s2  }
0x8d: {  	s2 =	sadd.s32 s2, s14  }
0x8e: {  	[smem:$0x3FBE] =	sst s2  }
0x8f: {  	_ = 	snop  }
0x90: {  	s2 =	sld [smem:$0x3FD0];
	_ =	sdelay $0x2  }
0x91: {  	s15 =	simm.s32 $0xA;
	s4 =	simm.s32 $0x10  }
0x92: {  	[smem:s4], [sflag:s15] =	dma.local [hbm:s2], $0x1  }
0x93: {  	_ =	swait.eq [sflag:s15], $0x1  }
0x94: {  	[sflag:s15] =	ssyncset.done $0x0  }
0x95: {  	[sflag:s15] =	ssyncadd.s32 $0xFFFFFFFF  }
0x96: {  	s16 =	sld [smem:$0x10];
	(tm) =	ssettm $0x1  }
0x97: {  	s17 =	sld [smem:$0x3FFB];
	_ =	sdelay $0x3  }
0x98: {  	_ =	strace s17  }
0x99: {  	s3 =	sld [smem:$0x3FFC];
	_ =	sdelay $0x3  }
0x9a: {  	_ =	strace s3  }
0x9b: {  	s3 =	sld [smem:$0x3FFD];
	_ =	sdelay $0x3  }
0x9c: {  	_ =	strace s3  }
0x9d: {  	_ =	strace $0x8FFFFFFF  }
0x9e: {  	s18 =	sld [smem:$0x3FDB];
	_ =	sdelay $0x1  }
0x9f: {  	s19 =	simm.s32 $_scs_section_size  }
0xa0: {  	s5 =	simm.s32 $_size__tile_overlayer_lowered;
	s6 =	simm.s32 $_tile_overlayer_lowered  }
0xa1: {  	s22 =	simm.s32 $0x1BFF;
	s21 =	sshll.u32 s6, $0x1;
	s3 =	sadd.s32 s19, s18  }
0xa2: {  	s7 =	simm.s32 $0x0;
	s20 =	sshll.u32 s5, $0x1;
	s5 =	sadd.s32 s21, s3  }
0xa3: {  	[timem:s7], [sflag:s22] =	dma.local [hbm:s5], s20  }
0xa4: {  	_ =	swait.ge [sflag:s22], s20  }
0xa5: {  	s4 =	ssub.s32 $0x0, s20;
	[sflag:s22] =	ssyncset.done $0x0  }
0xa6: {  	[sflag:s22] =	ssyncadd.s32 s4;
	_ =	sdelay $0x1  }
0xa7: {  	s23 =	simm.s32 $0x1B8B  }
0xa8: {  	_ =	swait.ge [sflag:s23], $0x1  }
0xa9: {  	[sflag:s23] =	ssyncset.done $0x0  }
0xaa: {  	s25 =	simm.s32 $0x1B8E;
	s24 =	sld [smem:$0x3FFE];
	[sflag:s23] =	ssyncadd.s32 $0xFFFFFFFF  }
0xab: {  	s26 =	simm.s32 $execute0_lowered;
	[smem:$0x3FD2] =	sst s25  }
0xac: {  	s5 =	sshll.u32 s26, $0x1;
	_ =	strace $0x80000046;
	[dreg:$0x1] =	wrdreg $0xFFFFFFFF  }
0xad: {  	s28 =	simm.s32 $_size_execute0_lowered;
	s3 =	sadd.s32 s3, s5;
	[dreg:$0x0] =	wrdreg $0x0  }
0xae: {  	s5 =	sshll.u32 s28, $0x1;
	[dreg:$0x2] =	wrdreg s3  }
0xaf: {  	[dreg:$0x3] =	wrdreg s5  }
0xb0: {  	[dreg:$0x4] =	wrdreg $0xC0  }
0xb1: {  	_ =	task [dreg:s7], $0x5FFFF  }
0xb2: {  	[dreg:$0x1] =	wrdreg $0xFFFFFFFF  }
0xb3: {  	[dreg:$0x0] =	wrdreg $0x60  }
0xb4: {  	[dreg:$0x2] =	wrdreg s16  }
0xb5: {  	[dreg:$0x3] =	wrdreg s24  }
0xb6: {  	[dreg:$0x4] =	wrdreg $0x1A2800  }
0xb7: {  	[dreg:$0x5] =	wrdreg $0x9  }
0xb8: {  	_ =	task.clear_ibuf [dreg:s7], $0x6FFFF;
	_ =	strace $0x90000046  }
0xb9: {  	s29 =	simm.s32 $0x9;
	_ =	strace $0x80000048  }
0xba: {  	_ =	swait.ge [sflag:s29], $0x1  }
0xbb: {  	[sflag:s29] =	ssyncadd.s32 $0xFFFFFFFF  }
0xbc: {  	_ =	strace $0x90000048  }
0xbd: {  	_ =	sfence  }
0xbe: {  	s30 =	sld [smem:$0x0];
	_ =	sdelay $0x2  }
0xbf: {  	s31 =	sshll.u32 s1, $0xD;
	s1 =	sshrl.u32 s1, $0x2  }
0xc0: {  	s3 =	sand.u32 $0x4000, s31;
	s1 =	sadd.s32 s1, s30  }
0xc1: {  	s0 =	sor.u32 s3, s0;
	s1 =	sshll.u32 s1, $0x11  }
0xc2: {  	s0 =	sor.u32 s1, s0  }
0xc3: {  	s0 =	sadd.s32 $0x8F2B, s0  }
0xc4: {  	[sflag:s0] =	ssyncadd.remote.s32 $0x1  }
0xc5: {  	_ =	sfence.sel $0xFFFF  }
0xc6: {  	[dreg:$0x0] =	wrdreg $0xFFFFFFFF;
	(pc) =	sbr.abs _section_cstart, $3  }
0xc7: {  	[dreg:$0x1] =	wrdreg $0xFFFFFFFF  }
0xc8: {  	_ =	task.clear_ibuf [dreg:s7], $0x2FFFF;
	_ =	strace $0x9FFFFFFF  }
0xc9: {  	(tm) =	ssettm $0x7FFFFFFF  }
tec
execute0_lowered:
.L_overlay_start_1:
0x0: {  	(tag) =	ssettag $0x1  }
0x1: {  	s1 =	rddreg [dreg:$0x0]  }
0x2: {  	s2 =	srdreg.scid;
	s6 =	rddreg [dreg:$0x1]  }
0x3: {  	s0 =	stileid.u32;
	s3 =	rddreg [dreg:$0x2];
	s4 =	simm.s32 $0x0  }
0x4: {  	s14 =	simm.s32 $0x2800;
	s15 =	simm.s32 $0xA300;
	s16 =	simm.s32 $0x1  }
0x5: {  	s17 =	simm.s32 $0x80;
	s18 =	simm.s32 $0xCA80;
	s19 =	simm.s32 $0x11280  }
0x6: {  	s20 =	simm.s32 $0x15A80;
	s21 =	simm.s32 $0x2;
	s22 =	simm.s32 $0x3  }
0x7: {  	s23 =	simm.s32 $0x0;
	s7 =	sand.u32 $0x1, s2;
	s2 =	rddreg [dreg:$0x3]  }
0x8: {  	s28 =	sshll.u32 s0, $0x1;
	[smem:$0x7FF] =	sst s4;
	s8 =	smul.u32 $0x4C80, s0  }
0x9: {  	s31 =	sshll.u32 s0, $0x6;
	s5 =	sor.u32 s7, s28;
	_ =	strace $0x80000047  }
0xa: {  	s11 =	ssub.s32 $0x2, s7;
	p0 =	seq.s32 s7, $0x1;
	s7 =	sor.u32 $0x1C04, s31  }
0xb: {  	s5 =	smul.u32 $0x500, s5;
	s10 =	sshrl.u32 s8, $0x3;
	s29 =	sshrl.u32 s11, $0x1  }
.Ltmp0:
0xc: {  	s13 =	sadd.s32 s8, s3;
	s12 =	sadd.s32 s10, s6;
	(pc) =	sbr.rel .LBB2_1-.Ltmp0, $4  }
0xd: {  	s30 =	ssub.s32 s11, s29;
	s11 =	simm.s32 $0x28A00;
	s9 =	sadd.s32 s5, s6  }
0xe: {  	s5 =	sadd.s32 $0x15000, s6;
	s6 =	sadd.s32 $0x15600, s12;
	s11 =	simm.s32 @!p0 $0x1F000  }
0xf: {  	s10 =	smax.u32 s30, $0x1;
	s8 =	sadd.s32 $0xB000, s9;
	s9 =	sadd.s32 $0x1000, s9  }
0x10: {  	v0 =	vimm.s32 $0x0;
	v1 =	vimm.s32 $0x800;
	s11 =	sadd.s32 s11, s12;
	s12 =	sshrl.u32 s13, $0x3;
	s13 =	simm.s32 $0x4  }
.LBB2_6:
0x11: {  	[sflag:s13] =	ssyncadd.s32 $0xFFFFB800  }
.LBB2_7:
0x12: {  	s23 =	sadd.s32 $0x1, s23  }
0x13: {  	p0 =	sne.s32 s23, s10  }
.Ltmp1:
0x14: {  	[bflag:$0x0] =	sbarrier.arrive $0xFFFF;
	(pc) =	sbr.rel @!p0 .LBB2_8-.Ltmp1, $4  }
0x15: {  	[hbm:s11], [sflag:s7] =	dma.local [spmem:s12], $0x990  }
0x16: {  	_ =	swait.ge [sflag:s13], $0x990  }
0x17: {  	[sflag:s13] =	ssyncset.done $0x0  }
0x18: {  	[sflag:s13] =	ssyncadd.s32 $0xFFFFF670  }
.LBB2_1:
0x19: {  	[spmem:s12], [sflag:s7] =	dma.local [hbm:s6], $0x990  }
0x1a: {  	_ =	swait.ge [sflag:s13], $0x990  }
0x1b: {  	[sflag:s13] =	ssyncset.done $0x0  }
0x1c: {  	[sflag:s13] =	ssyncadd.s32 $0xFFFFF670  }
0x1d: {  	[bflag:$0x0] =	sbarrier.arrive $0xFFFF  }
0x1e: {  	[tilespmem:s4], [sflag:$0x4] =	stream.linear.gather [hbm4b:s8+s4], $0x2800, $0x38;
	[tilespmem:$0x1EF00] =	vst v63  }
0x1f: {  	_ =	swait.ge [sflag:s13], $0x2800  }
0x20: {  	[sflag:s13] =	ssyncset.done $0x0  }
0x21: {  	[sflag:s13] =	ssyncadd.s32 $0xFFFFD800  }
0x22: {  	[tilespmem:s14], [sflag:$0x4] =	stream.linear.gather [hbm4b:s9+s4], $0x2800, $0x38;
	[tilespmem:$0x1EF00] =	vst v63  }
0x23: {  	_ =	swait.ge [sflag:s13], $0x2800  }
0x24: {  	[sflag:s13] =	ssyncset.done $0x0  }
0x25: {  	[sflag:s13] =	ssyncadd.s32 $0xFFFFD800  }
0x26: {  	[tilespmem:s15], [sflag:$0x4] =	stream.linear.gather [hbm4b:s5+s4], $0x2780, $0x38;
	[tilespmem:$0x1EF00] =	vst v63  }
0x27: {  	_ =	swait.ge [sflag:s13], $0x2780  }
0x28: {  	[sflag:s13] =	ssyncset.done $0x0  }
0x29: {  	s24 =	simm.s32 $0x0;
	[sflag:s13] =	ssyncadd.s32 $0xFFFFD880  }
0x2a: {  	v2 =	vld [tilespmem:s24+$0x2800];
	_ =	sdelay $0x7  }
0x2b: {  	v2 =	vld.idx.msk [tilespmem:v2+s15+$0x0], $0xffff;
	_ =	sdelay $0x4  }
0x2c: {  	vm0 =	vlt.s32 v2, $0x800  }
0x2d: {  	v4 =	vmpcnt.ones.xlane vm0  }
0x2e: {  	v3 =	vld [tilespmem:s24+$0x0]  }
0x2f: {  	v4 =	vxor.u32 $0x80000000, v4  }
0x30: {  	(xrf0) =	vmax.scan.msk.u32 $0xffff, v4;
	_ =	sdelay $0x2  }
0x31: {  	[tilespmem:s4+$0x5000] =	vst.msk vm0, v3  }
0x32: {  	s26 =	simm.s32 $0x10;
	s25 =	simm.s32 $0x80;
	s24 =	simm.s32 $0x0;
	[tilespmem:s4+$0x7980] =	vst.msk vm0, v2  }
.LBB2_2:
0x33: {  	p0 =	sne.s32 s25, $0x9FC0;
	v2 =	vld [tilespmem:s26+$0x2800]  }
0x34: {  	v3, _, _ =	vpop (xrf0)  }
0x35: {  	(v2sf) =	vpush v3, $0xF;
	_ =	sdelay $0x5  }
0x36: {  	v2 =	vld.idx.msk [tilespmem:v2+s15+$0x0], $0xffff;
	_ =	sdelay $0x5  }
0x37: {  	vm0 =	vlt.s32 v2, $0x800  }
0x38: {  	v4 =	vmpcnt.ones.xlane vm0;
	v3 =	vld [tilespmem:s26+$0x0];
	_ =	sdelay $0x1  }
0x39: {  	v4 =	vxor.u32 $0x80000000, v4;
	s26 =	spop (v2sf)  }
.Ltmp2:
0x3a: {  	(xrf0) =	vmax.scan.msk.u32 $0xffff, v4;
	s24 =	sadd.s32 s26, s24;
	(pc) =	sbr.rel @p0 .LBB2_2-.Ltmp2, $4  }
0x3b: {  	s24 =	sadd.s32 $0x80000000, s24  }
0x3c: {  	[tilespmem:s24+$0x5000] =	vst.msk vm0, v3  }
0x3d: {  	[tilespmem:s24+$0x7980] =	vst.msk vm0, v2  }
0x3e: {  	s26 =	sshra.s32 s25, $0x2;
	s25 =	sadd.s32 $0x40, s25  }
0x3f: {  	v2 =	vld [tilespmem:s26+$0x2800];
	_ =	sdelay $0x7  }
0x40: {  	v2 =	vld.idx.msk [tilespmem:v2+s15+$0x0], $0xffff;
	_ =	sdelay $0x4  }
0x41: {  	vm0 =	vlt.s32 v2, $0x800  }
0x42: {  	v3 =	vmpcnt.ones.xlane vm0;
	_ =	sdelay $0x1  }
0x43: {  	v3 =	vxor.u32 $0x80000000, v3  }
0x44: {  	(xrf0) =	vmax.scan.msk.u32 $0xffff, v3;
	_ =	sdelay $0x3  }
0x45: {  	v3, _, _ =	vpop (xrf0)  }
0x46: {  	(v2sf) =	vpush v3, $0xF  }
0x47: {  	v3, _, _ =	vpop (xrf0)  }
0x48: {  	(v2sf) =	vpush v3, $0xF;
	_ =	sdelay $0xa  }
0x49: {  	v3 =	vld [tilespmem:s26+$0x0];
	_ =	sdelay $0x1  }
0x4a: {  	s25 =	spop (v2sf)  }
0x4b: {  	s24 =	sadd.s32 s25, s24  }
0x4c: {  	s24 =	sadd.s32 $0x80000000, s24;
	s29 =	spop (v2sf)  }
0x4d: {  	[tilespmem:s24+$0x5000] =	vst.msk vm0, v3;
	s25 =	sadd.s32 s29, s24  }
0x4e: {  	[tilespmem:s24+$0x7980] =	vst.msk vm0, v2;
	s30 =	sadd.s32 $0x80000000, s25  }
0x4f: {  	[tilespmem:s30+$0x5000] =	vst v0  }
0x50: {  	[tilespmem:s30+$0x7980] =	vst v1  }
0x51: {  	[tilespmem:s30+$0x5010] =	vst v0  }
0x52: {  	[tilespmem:s30+$0x7990] =	vst v1  }
0x53: {  	[tilespmem:s30+$0x5020] =	vst v0  }
0x54: {  	[tilespmem:s30+$0x79A0] =	vst v1  }
0x55: {  	[tilespmem:s30+$0x5030] =	vst v0  }
0x56: {  	[tilespmem:s30+$0x79B0] =	vst v1  }
0x57: {  	[tilespmem:s30+$0x5040] =	vst v0  }
0x58: {  	[tilespmem:s30+$0x79C0] =	vst v1  }
0x59: {  	[tilespmem:s30+$0x5050] =	vst v0  }
0x5a: {  	[tilespmem:s30+$0x79D0] =	vst v1  }
0x5b: {  	[tilespmem:s30+$0x5060] =	vst v0  }
0x5c: {  	[tilespmem:s30+$0x79E0] =	vst v1  }
0x5d: {  	[tilespmem:s30+$0x5070] =	vst v0  }
0x5e: {  	[tilespmem:s30+$0x79F0] =	vst v1  }
0x5f: {  	[tilespmem:s30+$0x5080] =	vst v0  }
0x60: {  	[tilespmem:s30+$0x7A00] =	vst v1  }
0x61: {  	[tilespmem:s30+$0x5090] =	vst v0  }
0x62: {  	[tilespmem:s30+$0x7A10] =	vst v1  }
0x63: {  	[tilespmem:s30+$0x50A0] =	vst v0  }
0x64: {  	[tilespmem:s30+$0x7A20] =	vst v1  }
0x65: {  	[tilespmem:s30+$0x50B0] =	vst v0  }
0x66: {  	[tilespmem:s30+$0x7A30] =	vst v1  }
0x67: {  	[tilespmem:s30+$0x50C0] =	vst v0  }
0x68: {  	[tilespmem:s30+$0x7A40] =	vst v1  }
0x69: {  	[tilespmem:s30+$0x50D0] =	vst v0  }
0x6a: {  	[tilespmem:s30+$0x7A50] =	vst v1  }
0x6b: {  	[tilespmem:s30+$0x50E0] =	vst v0;
	s25 =	sadd.s32 $0x17F, s30  }
0x6c: {  	[tilespmem:s30+$0x7A60] =	vst v1;
	s31 =	smulhi.u32 $0x2AAAAAAB, s25;
	s28 =	sshra.s32 s25, $0x1F  }
0x6d: {  	[tilespmem:s30+$0x50F0] =	vst v0;
	s28 =	smul.u32 $0x2AAAAAAB, s28  }
0x6e: {  	[tilespmem:s30+$0x7A70] =	vst v1  }
0x6f: {  	[tilespmem:s30+$0x5100] =	vst v0;
	s26 =	sadd.s32 s28, s31  }
0x70: {  	[tilespmem:s30+$0x7A80] =	vst v1;
	s28 =	sshrl.u32 s26, $0x1F;
	s26 =	sshra.s32 s26, $0x6  }
0x71: {  	[tilespmem:s30+$0x5110] =	vst v0;
	s26 =	sadd.s32 s28, s26  }
0x72: {  	[tilespmem:s30+$0x7A90] =	vst v1;
	s28 =	smul.u32 $0xFFFFFE80, s26  }
0x73: {  	[tilespmem:s30+$0x5120] =	vst v0;
	s29 =	ssub.s32 $0xFFFFFE81, s30  }
0x74: {  	[tilespmem:s30+$0x7AA0] =	vst v1;
	p0 =	slt.s32 s25, $0x1;
	p1 =	sne.s32 s28, s29  }
0x75: {  	[tilespmem:s30+$0x5130] =	vst v0;
	p0 =	por !p0, !p1  }
0x76: {  	[tilespmem:s30+$0x7AB0] =	vst v1;
	s25 =	simm.s32 $0x1;
	p0 =	por !p0, !p0  }
0x77: {  	[tilespmem:s30+$0x5140] =	vst v0;
	s25 =	simm.s32 @!p0 $0x0  }
0x78: {  	[tilespmem:s30+$0x7AC0] =	vst v1;
	s26 =	ssub.s32 s26, s25  }
0x79: {  	[tilespmem:s30+$0x5150] =	vst v0;
	p0 =	slt.s32 s26, $0x1  }
.Ltmp3:
0x7a: {  	[tilespmem:s30+$0x7AD0] =	vst v1;
	(pc) =	sbr.rel @p0 .LBB2_7-.Ltmp3, $4  }
0x7b: {  	[tilespmem:s30+$0x5160] =	vst v0  }
0x7c: {  	[tilespmem:s30+$0x7AE0] =	vst v1  }
0x7d: {  	[tilespmem:s30+$0x5170] =	vst v0  }
0x7e: {  	[tilespmem:s30+$0x7AF0] =	vst v1  }
0x7f: {  	s24 =	simm.s32 $0x5000  }
0x80: {  	[tilespmem:s18], [sflag:$0x1] =	stream.indirect.gather [hbm4b:s1+s17], $0x90, s24, s17, $0xb8;
	[tilespmem:$0x1EF00] =	vst v63  }
0x81: {  	s25 =	simm.s32 $0x5080  }
0x82: {  	[tilespmem:s19], [sflag:$0x2] =	stream.indirect.gather [hbm4b:s1+s17], $0x90, s25, s17, $0xb8;
	[tilespmem:$0x1EF00] =	vst v63  }
0x83: {  	s30 =	simm.s32 $0x5100  }
0x84: {  	[tilespmem:s20], [sflag:$0x3] =	stream.indirect.gather [hbm4b:s1+s17], $0x90, s30, s17, $0xb8;
	[tilespmem:$0x1EF00] =	vst v63  }
0x85: {  	_ =	swait.ge [sflag:s16], $0x4800  }
0x86: {  	[sflag:s16] =	ssyncset.done $0x0  }
0x87: {  	s25 =	simm.s32 $0x7980;
	[sflag:s16] =	ssyncadd.s32 $0xFFFFB800  }
0x88: {  	[spmem:s3] =	stream.indirect.scatter.add.f32 [tilespmem:s18], [sflag:$0x4], $0x90, s25, s17, $0xb8;
	[tilespmem:$0x1EF00] =	vst v63  }
0x89: {  	_ =	swait.ge [sflag:s13], $0x4800  }
0x8a: {  	[sflag:s13] =	ssyncset.done $0x0  }
0x8b: {  	[sflag:s13] =	ssyncadd.s32 $0xFFFFB800  }
0x8c: {  	_ =	swait.ge [sflag:s21], $0x4800  }
0x8d: {  	[sflag:s21] =	ssyncset.done $0x0  }
0x8e: {  	s28 =	simm.s32 $0x7A00;
	[sflag:s21] =	ssyncadd.s32 $0xFFFFB800  }
0x8f: {  	[spmem:s3] =	stream.indirect.scatter.add.f32 [tilespmem:s19], [sflag:$0x4], $0x90, s28, s17, $0xb8;
	[tilespmem:$0x1EF00] =	vst v63  }
0x90: {  	_ =	swait.ge [sflag:s13], $0x4800  }
0x91: {  	[sflag:s13] =	ssyncset.done $0x0  }
0x92: {  	[sflag:s13] =	ssyncadd.s32 $0xFFFFB800  }
0x93: {  	p0 =	sne.s32 s26, $0x1;
	_ =	swait.ge [sflag:s22], $0x4800  }
.Ltmp4:
0x94: {  	[sflag:s22] =	ssyncset.done $0x0;
	(pc) =	sbr.rel @!p0 .LBB2_6-.Ltmp4, $4  }
0x95: {  	s31 =	simm.s32 $0x7A80;
	[sflag:s22] =	ssyncadd.s32 $0xFFFFB800  }
0x96: {  	[spmem:s3] =	stream.indirect.scatter.add.f32 [tilespmem:s20], [sflag:$0x4], $0x90, s31, s17, $0xb8;
	[tilespmem:$0x1EF00] =	vst v63  }
0x97: {  	_ =	swait.ge [sflag:s13], $0x4800  }
0x98: {  	s26 =	sadd.s32 $0xFFFFFFFF, s26;
	[sflag:s13] =	ssyncset.done $0x0  }
.LBB2_5:
0x99: {  	[sflag:s13] =	ssyncadd.s32 $0xFFFFB800;
	s24 =	sadd.s32 $0x180, s24;
	s25 =	sadd.s32 $0x180, s25  }
0x9a: {  	[tilespmem:s18], [sflag:$0x1] =	stream.indirect.gather [hbm4b:s1+s17], $0x90, s24, s17, $0xb8;
	[tilespmem:$0x1EF00] =	vst v63  }
0x9b: {  	p0 =	sne.s32 s26, $0x1;
	s26 =	sadd.s32 $0xFFFFFFFF, s26;
	s28 =	sadd.s32 $0x80, s24  }
0x9c: {  	[tilespmem:s19], [sflag:$0x2] =	stream.indirect.gather [hbm4b:s1+s17], $0x90, s28, s17, $0xb8;
	[tilespmem:$0x1EF00] =	vst v63  }
0x9d: {  	s28 =	sadd.s32 $0x100, s24  }
0x9e: {  	[tilespmem:s20], [sflag:$0x3] =	stream.indirect.gather [hbm4b:s1+s17], $0x90, s28, s17, $0xb8;
	[tilespmem:$0x1EF00] =	vst v63  }
0x9f: {  	_ =	swait.ge [sflag:s16], $0x4800  }
0xa0: {  	[sflag:s16] =	ssyncset.done $0x0  }
0xa1: {  	[sflag:s16] =	ssyncadd.s32 $0xFFFFB800  }
0xa2: {  	[spmem:s3] =	stream.indirect.scatter.add.f32 [tilespmem:s18], [sflag:$0x4], $0x90, s25, s17, $0xb8;
	[tilespmem:$0x1EF00] =	vst v63  }
0xa3: {  	_ =	swait.ge [sflag:s13], $0x4800  }
0xa4: {  	[sflag:s13] =	ssyncset.done $0x0  }
0xa5: {  	[sflag:s13] =	ssyncadd.s32 $0xFFFFB800  }
0xa6: {  	_ =	swait.ge [sflag:s21], $0x4800  }
0xa7: {  	[sflag:s21] =	ssyncset.done $0x0  }
0xa8: {  	s28 =	sadd.s32 $0x80, s25;
	[sflag:s21] =	ssyncadd.s32 $0xFFFFB800  }
0xa9: {  	[spmem:s3] =	stream.indirect.scatter.add.f32 [tilespmem:s19], [sflag:$0x4], $0x90, s28, s17, $0xb8;
	[tilespmem:$0x1EF00] =	vst v63  }
0xaa: {  	_ =	swait.ge [sflag:s13], $0x4800  }
0xab: {  	[sflag:s13] =	ssyncset.done $0x0  }
0xac: {  	[sflag:s13] =	ssyncadd.s32 $0xFFFFB800  }
0xad: {  	_ =	swait.ge [sflag:s22], $0x4800  }
.Ltmp5:
0xae: {  	[sflag:s22] =	ssyncset.done $0x0;
	(pc) =	sbr.rel @p0 .LBB2_5-.Ltmp5, $4  }
0xaf: {  	s28 =	sadd.s32 $0x100, s25;
	[sflag:s22] =	ssyncadd.s32 $0xFFFFB800  }
0xb0: {  	[spmem:s3] =	stream.indirect.scatter.add.f32 [tilespmem:s20], [sflag:$0x4], $0x90, s28, s17, $0xb8;
	[tilespmem:$0x1EF00] =	vst v63  }
0xb1: {  	_ =	swait.ge [sflag:s13], $0x4800  }
0xb2: {  	[sflag:s13] =	ssyncset.done $0x0  }
.Ltmp6:
0xb3: {  	_ = 	snop;
	(pc) =	sbr.rel .LBB2_6-.Ltmp6, $1  }
0xb4: {  	_ =	sdelay $0x3  }
.LBB2_8:
0xb5: {  	_ =	sfence.sel $0x180000  }
0xb6: {  	[bflag:$0x0] =	sbarrier.arrive $0xFFFF  }
0xb7: {  	p0 =	sne.s32 s0, $0x0;
	_ =	strace $0x90000047  }
0xb8: {  	s0 =	sadd.s32 @!p0 $0x100000, s2;
	[bflag:$0x2] =	sbarrier.arrive $0xFFFF  }
0xb9: {  	[sflag:s0] =	ssyncadd.tile.s32 @!p0 $0x1;
	_ =	shalt  }
.Lfunc_end2:
_tile_overlayer_lowered:
.L_overlay_start_2:
0xba: {  	(tag) =	ssettag $0x2  }
0xbb: {  	s0 =	rddreg [dreg:$0x0];
	s2 =	stileid.u32  }
0xbc: {  	s1 =	rddreg [dreg:$0x1];
	p0 =	sne.s32 s2, $0x0  }
0xbd: {  	s3 =	rddreg [dreg:$0x2];
	[bflag:$0x3] =	sbarrier.arrive $0xFFFF;
	s2 =	simm.s32 @!p0 $0x1C04  }
0xbe: {  	[timem:s3], [sflag:s2] =	dma.local @!p0 [hbm:s0], s1  }
0xbf: {  	s0 =	simm.s32 @!p0 $0x4  }
0xc0: {  	_ =	swait.ge @!p0 [sflag:s0], s1  }
0xc1: {  	s1 =	ssub.s32 @!p0 $0x0, s1;
	[sflag:s0] =	ssyncset.done @!p0 $0x0  }
0xc2: {  	[sflag:s0] =	ssyncadd.s32 @!p0 s1  }
0xc3: {  	[bflag:$0x3] =	sbarrier.arrive $0xFFFF  }
0xc4: {  	_ =	shalt  }

// kernel: kernel.8.cloned.1.call-start
scs
__scs_entry_jumppad:
0x0: {  	(pc) =	sbr.rel $0x88, $3  }
0x1: {  	(tag) =	ssettag $0x0;
	lr =	simm.s32 $0x1  }
0x2: {  	[smem:$0x3F97] =	sst lr;
	_ =	strace $0xD0000000  }
0x3: {  	_ = 	snop  }
0x4: {  	_ = 	snop  }
0x5: {  	_ = 	snop  }
0x6: {  	_ = 	snop  }
0x7: {  	_ = 	snop  }
__scs_overlays_trampoline_lowered:
0x8: {  	[smem:$0x3FA6] =	sst s0  }
0x9: {  	[smem:$0x3FA7] =	sst s1  }
0xa: {  	[smem:$0x3FA8] =	sst s2  }
0xb: {  	[smem:$0x3FA9] =	sst s3  }
0xc: {  	[smem:$0x3FAA] =	sst s4  }
0xd: {  	[smem:$0x3FAB] =	sst s5  }
0xe: {  	[smem:$0x3FAC] =	sst s6  }
0xf: {  	[smem:$0x3FAD] =	sst s7  }
0x10: {  	[smem:$0x3FAE] =	sst s8  }
0x11: {  	[smem:$0x3FAF] =	sst s9;
	s0 =	simm.s32 @!p0 $0x0  }
0x12: {  	s1 =	sld [smem:$0x3F95];
	s0 =	simm.s32 @p0 $0x1  }
0x13: {  	[smem:$0x3FB0] =	sst s0;
	s0 =	simm.s32 @!p1 $0x0  }
0x14: {  	s2 =	sld [smem:$0x3F94];
	s0 =	simm.s32 @p1 $0x1  }
0x15: {  	[smem:$0x3FB1] =	sst s0;
	s0 =	simm.s32 @!p2 $0x0  }
0x16: {  	s3 =	sld [smem:$0x3FDB];
	s0 =	simm.s32 @p2 $0x1  }
0x17: {  	s4 =	simm.s32 $0x1BF5;
	[smem:$0x3FB3] =	sst s0  }
0x18: {  	s0 =	sld [smem:$0x3F96];
	_ =	swait.ge [sflag:s4], $0x0  }
0x19: {  	s7 =	sld [smem:$0x3F97]  }
0x1a: {  	s8 =	sadd.s32 $0xFFFFE003, lr  }
0x1b: {  	s9 =	sadd.s32 $0xFFFFFEF7, lr;
	s5 =	simm.s32 $0xFFFFFFFF;
	p2 =	slt.u32 s8, $0xFFFFF086  }
0x1c: {  	p1 =	slt.u32 s9, $0xF7A;
	s5 =	simm.s32 @!p2 $0x0  }
0x1d: {  	s5 =	simm.s32 @p1 $0x1;
	p0 =	seq.s32 s7, s2  }
0x1e: {  	s7 =	smul.u32 @!p0 $0xF7A, s2;
	p2 =	seq.s32 @!p0 s5, $0x0  }
0x1f: {  	s9 =	smul.u32 $0xF7A, s1;
	s8 =	simm.s32 @!p0 $0x1BF5;
	p2 =	por !p2, p0  }
0x20: {  	[sflag:s8] =	ssyncset.s32 @!p0 $0xFFFFF086;
	s6 =	sadd.s32 @!p0 s3, s7;
	s7 =	simm.s32 @!p0 $0x108  }
0x21: {  	s3 =	sadd.s32 s3, s9;
	s6 =	sadd.s32 @!p0 $0x88, s6;
	s7 =	simm.s32 @p2 $0x1082  }
0x22: {  	[simem:s7], [sflag:s8] =	dma.local @!p0 [hbm:s6], $0xF7A  }
0x23: {  	s9 =	sor.u32 $0xD0000000, s2;
	s6 =	simm.s32 $0x108;
	_ =	swait.ge @!p0 [sflag:s8], $0x0  }
0x24: {  	s3 =	sadd.s32 $0x88, s3;
	s6 =	simm.s32 @!p1 $0x1082;
	[sflag:s4] =	ssyncset.s32 $0xFFFFF086  }
0x25: {  	[simem:s6], [sflag:s4] =	dma.local [hbm:s3], $0xF7A  }
0x26: {  	[smem:$0x3F97] =	sst s1;
	(tag) =	ssettag s2;
	_ =	strace s9  }
0x27: {  	s1 =	sld [smem:$0x3FA7]  }
0x28: {  	s2 =	sld [smem:$0x3FA8]  }
0x29: {  	s4 =	sld [smem:$0x3FAA]  }
0x2a: {  	p0 =	seq.s32 s5, $0x0;
	s5 =	sld [smem:$0x3FAB]  }
0x2b: {  	s6 =	sld [smem:$0x3FAC]  }
0x2c: {  	s7 =	sld [smem:$0x3FAD]  }
0x2d: {  	s3 =	simm.s32 $0x108;
	s8 =	sld [smem:$0x3FAE]  }
0x2e: {  	s3 =	simm.s32 @!p0 $0x1082;
	s9 =	sld [smem:$0x3FAF]  }
0x2f: {  	lr =	sadd.s32 s0, s3;
	s0 =	sld [smem:$0x3FA6]  }
0x30: {  	s3 =	sld [smem:$0x3FA9]  }
0x31: {  	[smem:$0x3FB2] =	sst s10  }
0x32: {  	s10 =	sld [smem:$0x3FB0];
	_ =	sdelay $0x3  }
0x33: {  	p0 =	seq.s32 s10, $0x1;
	s10 =	sld [smem:$0x3FB2];
	_ =	sdelay $0x3  }
0x34: {  	[smem:$0x3FB2] =	sst s10  }
0x35: {  	s10 =	sld [smem:$0x3FB1];
	_ =	sdelay $0x3  }
0x36: {  	p1 =	seq.s32 s10, $0x1;
	s10 =	sld [smem:$0x3FB2];
	_ =	sdelay $0x3  }
0x37: {  	[smem:$0x3FB2] =	sst s10  }
0x38: {  	s10 =	sld [smem:$0x3FB3]  }
0x39: {  	_ = 	snop;
	(pc) =	sbr.ind lr, $3  }
0x3a: {  	_ = 	snop  }
0x3b: {  	_ = 	snop  }
0x3c: {  	p2 =	seq.s32 s10, $0x1;
	s10 =	sld [smem:$0x3FB2]  }
0x3d: {  	_ =	shalt  }
0x3e: {  	_ =	shalt  }
0x3f: {  	_ =	shalt  }
0x40: {  	_ =	shalt  }
0x41: {  	_ =	shalt  }
0x42: {  	_ =	shalt  }
0x43: {  	_ =	shalt  }
0x44: {  	_ =	shalt  }
0x45: {  	_ =	shalt  }
0x46: {  	_ =	shalt  }
0x47: {  	_ =	shalt  }
0x48: {  	_ =	shalt  }
0x49: {  	_ =	shalt  }
0x4a: {  	_ =	shalt  }
0x4b: {  	_ =	shalt  }
0x4c: {  	_ =	shalt  }
0x4d: {  	_ =	shalt  }
0x4e: {  	_ =	shalt  }
0x4f: {  	_ =	shalt  }
0x50: {  	_ =	shalt  }
0x51: {  	_ =	shalt  }
0x52: {  	_ =	shalt  }
0x53: {  	_ =	shalt  }
0x54: {  	_ =	shalt  }
0x55: {  	_ =	shalt  }
0x56: {  	_ =	shalt  }
0x57: {  	_ =	shalt  }
0x58: {  	_ =	shalt  }
0x59: {  	_ =	shalt  }
0x5a: {  	_ =	shalt  }
0x5b: {  	_ =	shalt  }
0x5c: {  	_ =	shalt  }
0x5d: {  	_ =	shalt  }
0x5e: {  	_ =	shalt  }
0x5f: {  	_ =	shalt  }
0x60: {  	_ =	shalt  }
0x61: {  	_ =	shalt  }
0x62: {  	_ =	shalt  }
0x63: {  	_ =	shalt  }
0x64: {  	_ =	shalt  }
0x65: {  	_ =	shalt  }
0x66: {  	_ =	shalt  }
0x67: {  	_ =	shalt  }
0x68: {  	_ =	shalt  }
0x69: {  	_ =	shalt  }
0x6a: {  	_ =	shalt  }
0x6b: {  	_ =	shalt  }
0x6c: {  	_ =	shalt  }
0x6d: {  	_ =	shalt  }
0x6e: {  	_ =	shalt  }
0x6f: {  	_ =	shalt  }
0x70: {  	_ =	shalt  }
0x71: {  	_ =	shalt  }
0x72: {  	_ =	shalt  }
0x73: {  	_ =	shalt  }
0x74: {  	_ =	shalt  }
0x75: {  	_ =	shalt  }
0x76: {  	_ =	shalt  }
0x77: {  	_ =	shalt  }
0x78: {  	_ =	shalt  }
0x79: {  	_ =	shalt  }
0x7a: {  	_ =	shalt  }
0x7b: {  	_ =	shalt  }
0x7c: {  	_ =	shalt  }
0x7d: {  	_ =	shalt  }
0x7e: {  	_ =	shalt  }
0x7f: {  	_ =	shalt  }
0x80: {  	_ =	shalt  }
0x81: {  	_ =	shalt  }
0x82: {  	_ =	shalt  }
0x83: {  	_ =	shalt  }
0x84: {  	_ =	shalt  }
0x85: {  	_ =	shalt  }
0x86: {  	_ =	shalt  }
0x87: {  	_ =	shalt  }
.Lfunc_end0:
.L_simem_size_0:
called_computation.1_lowered:
.L_overlay_start_0:
0x88: {  	s2 =	sld [smem:$0x3FD9]  }
0x89: {  	s3 =	sld [smem:$0x3FFE];
	_ =	sdelay $0x1  }
0x8a: {  	s1 =	srdreg.scid  }
0x8b: {  	s0 =	sand.u32 $0x1, s1  }
0x8c: {  	s14 =	sshll.u32 s0, $0xA;
	s2 =	sadd.s32 s3, s2  }
0x8d: {  	s2 =	sadd.s32 s2, s14  }
0x8e: {  	[smem:$0x3FBE] =	sst s2  }
0x8f: {  	_ = 	snop  }
0x90: {  	s2 =	sld [smem:$0x3FD0];
	_ =	sdelay $0x2  }
0x91: {  	s15 =	simm.s32 $0xA;
	s4 =	simm.s32 $0x10  }
0x92: {  	[smem:s4], [sflag:s15] =	dma.local [hbm:s2], $0x1  }
0x93: {  	_ =	swait.eq [sflag:s15], $0x1  }
0x94: {  	[sflag:s15] =	ssyncset.done $0x0  }
0x95: {  	[sflag:s15] =	ssyncadd.s32 $0xFFFFFFFF  }
0x96: {  	s16 =	sld [smem:$0x10];
	(tm) =	ssettm $0x1  }
0x97: {  	s17 =	sld [smem:$0x3FFB];
	_ =	sdelay $0x3  }
0x98: {  	_ =	strace s17  }
0x99: {  	s3 =	sld [smem:$0x3FFC];
	_ =	sdelay $0x3  }
0x9a: {  	_ =	strace s3  }
0x9b: {  	s3 =	sld [smem:$0x3FFD];
	_ =	sdelay $0x3  }
0x9c: {  	_ =	strace s3  }
0x9d: {  	_ =	strace $0x8FFFFFFF  }
0x9e: {  	s18 =	sld [smem:$0x3FDB];
	_ =	sdelay $0x1  }
0x9f: {  	s19 =	simm.s32 $_scs_section_size  }
0xa0: {  	s5 =	simm.s32 $_size__tile_overlayer_lowered;
	s6 =	simm.s32 $_tile_overlayer_lowered  }
0xa1: {  	s22 =	simm.s32 $0x1BFF;
	s21 =	sshll.u32 s6, $0x1;
	s3 =	sadd.s32 s19, s18  }
0xa2: {  	s7 =	simm.s32 $0x0;
	s20 =	sshll.u32 s5, $0x1;
	s5 =	sadd.s32 s21, s3  }
0xa3: {  	[timem:s7], [sflag:s22] =	dma.local [hbm:s5], s20  }
0xa4: {  	_ =	swait.ge [sflag:s22], s20  }
0xa5: {  	s4 =	ssub.s32 $0x0, s20;
	[sflag:s22] =	ssyncset.done $0x0  }
0xa6: {  	[sflag:s22] =	ssyncadd.s32 s4;
	_ =	sdelay $0x1  }
0xa7: {  	s23 =	simm.s32 $0x1B8B  }
0xa8: {  	_ =	swait.ge [sflag:s23], $0x1  }
0xa9: {  	[sflag:s23] =	ssyncset.done $0x0  }
0xaa: {  	s25 =	simm.s32 $0x1B8E;
	s24 =	sld [smem:$0x3FFE];
	[sflag:s23] =	ssyncadd.s32 $0xFFFFFFFF  }
0xab: {  	s26 =	simm.s32 $execute0_lowered;
	[smem:$0x3FD2] =	sst s25  }
0xac: {  	s5 =	sshll.u32 s26, $0x1;
	_ =	strace $0x80000049;
	[dreg:$0x1] =	wrdreg $0xFFFFFFFF  }
0xad: {  	s28 =	simm.s32 $_size_execute0_lowered;
	s3 =	sadd.s32 s3, s5;
	[dreg:$0x0] =	wrdreg $0x0  }
0xae: {  	s5 =	sshll.u32 s28, $0x1;
	[dreg:$0x2] =	wrdreg s3  }
0xaf: {  	[dreg:$0x3] =	wrdreg s5  }
0xb0: {  	[dreg:$0x4] =	wrdreg $0xC0  }
0xb1: {  	_ =	task [dreg:s7], $0x5FFFF  }
0xb2: {  	[dreg:$0x1] =	wrdreg $0xFFFFFFFF  }
0xb3: {  	[dreg:$0x0] =	wrdreg $0x60  }
0xb4: {  	[dreg:$0x2] =	wrdreg s16  }
0xb5: {  	[dreg:$0x3] =	wrdreg s24  }
0xb6: {  	[dreg:$0x4] =	wrdreg $0x9  }
0xb7: {  	_ =	task.clear_ibuf [dreg:s7], $0x5FFFF;
	_ =	strace $0x90000049  }
0xb8: {  	s29 =	simm.s32 $0x9;
	_ =	strace $0x8000004B  }
0xb9: {  	_ =	swait.ge [sflag:s29], $0x1  }
0xba: {  	[sflag:s29] =	ssyncadd.s32 $0xFFFFFFFF  }
0xbb: {  	_ =	strace $0x9000004B  }
0xbc: {  	_ =	sfence  }
0xbd: {  	s30 =	sld [smem:$0x0];
	_ =	sdelay $0x2  }
0xbe: {  	s31 =	sshll.u32 s1, $0xD;
	s1 =	sshrl.u32 s1, $0x2  }
0xbf: {  	s3 =	sand.u32 $0x4000, s31;
	s1 =	sadd.s32 s1, s30  }
0xc0: {  	s0 =	sor.u32 s3, s0;
	s1 =	sshll.u32 s1, $0x11  }
0xc1: {  	s0 =	sor.u32 s1, s0  }
0xc2: {  	s0 =	sadd.s32 $0x8F2B, s0  }
0xc3: {  	[sflag:s0] =	ssyncadd.remote.s32 $0x1  }
0xc4: {  	_ =	sfence.sel $0xFFFF  }
0xc5: {  	[dreg:$0x0] =	wrdreg $0xFFFFFFFF;
	(pc) =	sbr.abs _section_cstart, $3  }
0xc6: {  	[dreg:$0x1] =	wrdreg $0xFFFFFFFF  }
0xc7: {  	_ =	task.clear_ibuf [dreg:s7], $0x2FFFF;
	_ =	strace $0x9FFFFFFF  }
0xc8: {  	(tm) =	ssettm $0x7FFFFFFF  }
0xc9: {  	_ =	shalt  }
tec
execute0_lowered:
.L_overlay_start_1:
0x0: {  	(tag) =	ssettag $0x1  }
0x1: {  	s1 =	srdreg.scid  }
0x2: {  	s0 =	stileid.u32;
	s17 =	sand.u32 $0x1, s1  }
0x3: {  	s2 =	rddreg [dreg:$0x0];
	s31 =	sshll.u32 s0, $0x7;
	s3 =	sshll.u32 s17, $0x6  }
0x4: {  	s14 =	rddreg [dreg:$0x1];
	s12 =	sor.u32 s3, s31  }
0x5: {  	s1 =	rddreg [dreg:$0x2];
	s3 =	simm.s32 $0x0;
	s4 =	sshrl.u32 s12, $0x3  }
0x6: {  	[smem:$0x7FF] =	sst s3;
	s6 =	sadd.s32 s4, s14  }
0x7: {  	_ =	strace $0x8000004A;
	s4 =	simm.s32 $0x4;
	s5 =	sadd.s32 $0xC00, s6  }
0x8: {  	[tilespmem:s3], [sflag:$0x4] =	stream.linear.gather [hbm4b:s5+s3], $0x40, $0x38;
	[tilespmem:$0x6C80] =	vst v63  }
0x9: {  	_ =	swait.ge [sflag:s4], $0x40  }
0xa: {  	[sflag:s4] =	ssyncset.done $0x0  }
0xb: {  	s7 =	simm.s32 $0x40;
	s6 =	sadd.s32 $0xE00, s6;
	[sflag:s4] =	ssyncadd.s32 $0xFFFFFFC0  }
0xc: {  	[tilespmem:s7], [sflag:$0x4] =	stream.linear.gather [hbm4b:s6+s3], $0x40, $0x38;
	[tilespmem:$0x6C80] =	vst v63  }
0xd: {  	_ =	swait.ge [sflag:s4], $0x40  }
0xe: {  	[sflag:s4] =	ssyncset.done $0x0  }
0xf: {  	s8 =	simm.s32 $0x80;
	[sflag:s4] =	ssyncadd.s32 $0xFFFFFFC0  }
0x10: {  	[tilespmem:s8], [sflag:$0x1] =	stream.indirect.gather [hbm4b:s2+s7], $0x90, s3, s7, $0xb8;
	[tilespmem:$0x6C80] =	vst v63  }
0x11: {  	s11 =	simm.s32 $0x2480;
	s13 =	simm.s32 $0x1;
	s9 =	sadd.s32 $0x1F000, s14  }
0x12: {  	[tilespmem:s11], [sflag:$0x2] =	stream.indirect.gather [hbm4b:s9+s7], $0x90, s7, s7, $0xb8;
	[tilespmem:$0x6C80] =	vst v63  }
0x13: {  	s10 =	sadd.s32 $0x28A00, s14;
	s15 =	smul.u32 $0x12, s12;
	s12 =	simm.s32 $0x4880  }
0x14: {  	[tilespmem:s12], [sflag:$0x3] =	stream.indirect.gather [hbm4b:s10+s7], $0x90, s7, s7, $0xb8;
	[tilespmem:$0x6C80] =	vst v63  }
0x15: {  	_ =	swait.ge [sflag:s13], $0x2400  }
0x16: {  	s18 =	sadd.s32 s15, s14;
	[sflag:s13] =	ssyncset.done $0x0  }
0x17: {  	s14 =	sadd.s32 $0xA000, s18;
	[sflag:s13] =	ssyncadd.s32 $0xFFFFDC00  }
0x18: {  	[hbm4b:s14+s3] =	stream.linear.scatter [tilespmem:s8], [sflag:$0x4], $0x2400, $0x38;
	[tilespmem:$0x6C80] =	vst v63  }
0x19: {  	_ =	swait.ge [sflag:s4], $0x2400  }
0x1a: {  	[sflag:s4] =	ssyncset.done $0x0  }
0x1b: {  	s15 =	simm.s32 $0x2;
	[sflag:s4] =	ssyncadd.s32 $0xFFFFDC00  }
0x1c: {  	_ =	swait.ge [sflag:s15], $0x2400  }
0x1d: {  	[sflag:s15] =	ssyncset.done $0x0  }
0x1e: {  	s19 =	ssub.s32 $0x2, s17;
	s16 =	sadd.s32 $0x1000, s18;
	[sflag:s15] =	ssyncadd.s32 $0xFFFFDC00  }
0x1f: {  	[hbm4b:s16+s3] =	stream.linear.scatter [tilespmem:s11], [sflag:$0x4], $0x2400, $0x38;
	[tilespmem:$0x6C80] =	vst v63  }
0x20: {  	s20 =	sshrl.u32 s19, $0x1;
	_ =	swait.ge [sflag:s4], $0x2400  }
0x21: {  	s19 =	ssub.s32 s19, s20;
	[sflag:s4] =	ssyncset.done $0x0  }
0x22: {  	s17 =	simm.s32 $0x3;
	s19 =	smax.u32 s19, $0x1;
	[sflag:s4] =	ssyncadd.s32 $0xFFFFDC00  }
0x23: {  	p0 =	sne.s32 s19, $0x1;
	_ =	swait.ge [sflag:s17], $0x2400  }
.Ltmp0:
0x24: {  	[sflag:s17] =	ssyncset.done $0x0;
	(pc) =	sbr.rel @!p0 .LBB2_2-.Ltmp0, $4  }
0x25: {  	s18 =	sadd.s32 $0x13000, s18;
	[sflag:s17] =	ssyncadd.s32 $0xFFFFDC00  }
0x26: {  	[hbm4b:s18+s3] =	stream.linear.scatter [tilespmem:s12], [sflag:$0x4], $0x2400, $0x38;
	[tilespmem:$0x6C80] =	vst v63  }
0x27: {  	_ =	swait.ge [sflag:s4], $0x2400  }
0x28: {  	s19 =	sadd.s32 $0xFFFFFFFF, s19;
	[sflag:s4] =	ssyncset.done $0x0  }
.LBB2_1:
0x29: {  	p0 =	sne.s32 s19, $0x1;
	s19 =	sadd.s32 $0xFFFFFFFF, s19;
	[sflag:s4] =	ssyncadd.s32 $0xFFFFDC00  }
0x2a: {  	[tilespmem:s3], [sflag:$0x4] =	stream.linear.gather [hbm4b:s5+s3], $0x40, $0x38;
	[tilespmem:$0x6C80] =	vst v63  }
0x2b: {  	_ =	swait.ge [sflag:s4], $0x40  }
0x2c: {  	[sflag:s4] =	ssyncset.done $0x0  }
0x2d: {  	[sflag:s4] =	ssyncadd.s32 $0xFFFFFFC0  }
0x2e: {  	[tilespmem:s7], [sflag:$0x4] =	stream.linear.gather [hbm4b:s6+s3], $0x40, $0x38;
	[tilespmem:$0x6C80] =	vst v63  }
0x2f: {  	_ =	swait.ge [sflag:s4], $0x40  }
0x30: {  	[sflag:s4] =	ssyncset.done $0x0  }
0x31: {  	[sflag:s4] =	ssyncadd.s32 $0xFFFFFFC0  }
0x32: {  	[tilespmem:s8], [sflag:$0x1] =	stream.indirect.gather [hbm4b:s2+s7], $0x90, s3, s7, $0xb8;
	[tilespmem:$0x6C80] =	vst v63  }
0x33: {  	_ = 	snop  }
0x34: {  	[tilespmem:s11], [sflag:$0x2] =	stream.indirect.gather [hbm4b:s9+s7], $0x90, s7, s7, $0xb8;
	[tilespmem:$0x6C80] =	vst v63  }
0x35: {  	_ = 	snop  }
0x36: {  	[tilespmem:s12], [sflag:$0x3] =	stream.indirect.gather [hbm4b:s10+s7], $0x90, s7, s7, $0xb8;
	[tilespmem:$0x6C80] =	vst v63  }
0x37: {  	_ =	swait.ge [sflag:s13], $0x2400  }
0x38: {  	[sflag:s13] =	ssyncset.done $0x0  }
0x39: {  	[sflag:s13] =	ssyncadd.s32 $0xFFFFDC00  }
0x3a: {  	[hbm4b:s14+s3] =	stream.linear.scatter [tilespmem:s8], [sflag:$0x4], $0x2400, $0x38;
	[tilespmem:$0x6C80] =	vst v63  }
0x3b: {  	_ =	swait.ge [sflag:s4], $0x2400  }
0x3c: {  	[sflag:s4] =	ssyncset.done $0x0  }
0x3d: {  	[sflag:s4] =	ssyncadd.s32 $0xFFFFDC00  }
0x3e: {  	_ =	swait.ge [sflag:s15], $0x2400  }
0x3f: {  	[sflag:s15] =	ssyncset.done $0x0  }
0x40: {  	[sflag:s15] =	ssyncadd.s32 $0xFFFFDC00  }
0x41: {  	[hbm4b:s16+s3] =	stream.linear.scatter [tilespmem:s11], [sflag:$0x4], $0x2400, $0x38;
	[tilespmem:$0x6C80] =	vst v63  }
0x42: {  	_ =	swait.ge [sflag:s4], $0x2400  }
0x43: {  	[sflag:s4] =	ssyncset.done $0x0  }
0x44: {  	[sflag:s4] =	ssyncadd.s32 $0xFFFFDC00  }
0x45: {  	_ =	swait.ge [sflag:s17], $0x2400  }
.Ltmp1:
0x46: {  	[sflag:s17] =	ssyncset.done $0x0;
	(pc) =	sbr.rel @p0 .LBB2_1-.Ltmp1, $4  }
0x47: {  	[sflag:s17] =	ssyncadd.s32 $0xFFFFDC00  }
0x48: {  	[hbm4b:s18+s3] =	stream.linear.scatter [tilespmem:s12], [sflag:$0x4], $0x2400, $0x38;
	[tilespmem:$0x6C80] =	vst v63  }
0x49: {  	_ =	swait.ge [sflag:s4], $0x2400  }
0x4a: {  	[sflag:s4] =	ssyncset.done $0x0  }
.LBB2_2:
0x4b: {  	[sflag:s4] =	ssyncadd.s32 $0xFFFFDC00  }
0x4c: {  	_ =	sfence.sel $0x180000  }
0x4d: {  	[bflag:$0x0] =	sbarrier.arrive $0xFFFF  }
0x4e: {  	p0 =	sne.s32 s0, $0x0;
	_ =	strace $0x9000004A  }
0x4f: {  	s0 =	sadd.s32 @!p0 $0x100000, s1;
	[bflag:$0x2] =	sbarrier.arrive $0xFFFF  }
0x50: {  	[sflag:s0] =	ssyncadd.tile.s32 @!p0 $0x1;
	_ =	shalt  }
.Lfunc_end2:
_tile_overlayer_lowered:
.L_overlay_start_2:
0x51: {  	(tag) =	ssettag $0x2  }
0x52: {  	s0 =	rddreg [dreg:$0x0];
	s2 =	stileid.u32  }
0x53: {  	s1 =	rddreg [dreg:$0x1];
	p0 =	sne.s32 s2, $0x0  }
0x54: {  	s3 =	rddreg [dreg:$0x2];
	[bflag:$0x3] =	sbarrier.arrive $0xFFFF;
	s2 =	simm.s32 @!p0 $0x1C04  }
0x55: {  	[timem:s3], [sflag:s2] =	dma.local @!p0 [hbm:s0], s1  }
0x56: {  	s0 =	simm.s32 @!p0 $0x4  }
0x57: {  	_ =	swait.ge @!p0 [sflag:s0], s1  }
0x58: {  	s1 =	ssub.s32 @!p0 $0x0, s1;
	[sflag:s0] =	ssyncset.done @!p0 $0x0  }
0x59: {  	[sflag:s0] =	ssyncadd.s32 @!p0 s1  }
0x5a: {  	[bflag:$0x3] =	sbarrier.arrive $0xFFFF  }
0x5b: {  	_ =	shalt  }

</sc_bundles>
